<compile_context>
chip_gen: v7x
topology: tpu7x:2x2x1
jax: 0.10.2.dev20260603
libtpu: 0.0.44.dev20260713+nightly
codegen_flags: <defaults>
</compile_context>

<pallas_src>
import functools

import jax
import jax.numpy as jnp
from jax import lax
from jax.experimental import pallas as pl
from jax.experimental.pallas import tpu as pltpu
from jax.experimental.pallas import tpu_sc as plsc

S = 8192
D = 2048
K = 512
NC = 2
NS = 16
NW = NC * NS
RW = K // NW
CH = 4
NCHUNK = RW // CH
NBUF = 4
NG = NCHUNK // NBUF
L = 16
BS = 512

_mesh = plsc.VectorSubcoreMesh(core_axis_name="c", subcore_axis_name="s")


@functools.partial(
    pl.kernel,
    out_type=jax.ShapeDtypeStruct((K, D), jnp.float32),
    mesh=_mesh,
    scratch_types=(
        [pltpu.VMEM((CH, D), jnp.float32) for _ in range(NBUF)]
        + [pltpu.VMEM((CH, D), jnp.float32) for _ in range(NBUF)]
        + [pltpu.SemaphoreType.DMA for _ in range(NBUF)]
        + [pltpu.SemaphoreType.DMA for _ in range(NBUF)]
    ),
)
def _sc_add(x_hbm, t_hbm, out_hbm, *scratch):
    xbufs = scratch[0:NBUF]
    tbufs = scratch[NBUF : 2 * NBUF]
    sins = scratch[2 * NBUF : 3 * NBUF]
    souts = scratch[3 * NBUF : 4 * NBUF]

    wid = lax.axis_index("s") * NC + lax.axis_index("c")
    base = wid * RW

    def issue_in(c, b):
        r0 = base + c * CH
        pltpu.async_copy(x_hbm.at[pl.ds(r0, CH)], xbufs[b], sins[b])
        pltpu.async_copy(t_hbm.at[pl.ds(r0, CH)], tbufs[b], sins[b])

    def wait_in(b):
        pltpu.make_async_copy(x_hbm.at[pl.ds(0, CH)], xbufs[b], sins[b]).wait()
        pltpu.make_async_copy(t_hbm.at[pl.ds(0, CH)], tbufs[b], sins[b]).wait()

    def issue_out(c, b):
        r0 = base + c * CH
        pltpu.async_copy(xbufs[b], out_hbm.at[pl.ds(r0, CH)], souts[b])

    def wait_out(b):
        pltpu.make_async_copy(xbufs[b], out_hbm.at[pl.ds(0, CH)], souts[b]).wait()

    def compute(b):
        xb = xbufs[b]
        tb = tbufs[b]

        def body(j, _):
            off = j * L
            for r in range(CH):
                plsc.addupdate(xb.at[r, pl.ds(off, L)], tb[r, pl.ds(off, L)])
            return 0

        lax.fori_loop(0, D // L, body, 0)

    def outer(g, _):
        for b in range(NBUF):
            issue_in(g * NBUF + b, b)
        for b in range(NBUF):
            wait_in(b)
            compute(b)
            issue_out(g * NBUF + b, b)
        for b in range(NBUF):
            wait_out(b)
        return 0

    lax.fori_loop(0, NG, outer, 0)


def _tc_body(x_ref, t_ref, o_ref):
    o_ref[...] = x_ref[...] + t_ref[...]


def kernel(x, pos_table):
    pt = pos_table[:S]
    sc_out = _sc_add(x[:K], pt[:K])
    kb = K // BS
    nblk = (S - K) // BS
    in_spec = pl.BlockSpec((BS, D), lambda i, kb=kb: (i + kb, 0))
    out_spec = pl.BlockSpec((BS, D), lambda i, kb=kb: (i + kb, 0))
    tc_out = pl.pallas_call(
        _tc_body,
        grid=(nblk,),
        in_specs=[in_spec, in_spec],
        out_specs=out_spec,
        out_shape=jax.ShapeDtypeStruct((S, D), x.dtype),
    )(x, pt)

    return lax.dynamic_update_slice(tc_out, sc_out, (0, 0))

# --- scband reference (transcript-rebuilt; emitter-appended) ---
"""Pipeline reference for scband-learnable-positional-encoding-88613765251798 (READ-ONLY COPY).

The authoritative reference and input builder live on the scoring server;
editing this copy changes nothing except your own understanding.
"""

import jax, jax.numpy as jnp
import numpy as np

D_MODEL = 2048
MAX_LEN = 8192
SEQ_LEN = 8192

def setup_inputs(seed: int = 0) -> dict:
    key = jax.random.key(seed)
    kx, kt = jax.random.split(key)
    x = jax.random.normal(kx, (SEQ_LEN, D_MODEL), dtype=jnp.float32)
    pos_table = jax.random.normal(kt, (MAX_LEN, D_MODEL), dtype=jnp.float32) * 0.02
    return {"x": x, "pos_table": pos_table}

def reference(x, pos_table):
    # positions = arange(len(x)).unsqueeze(1); embedding -> [S,1,D]; squeeze(1) -> [S,D]
    positions = jnp.arange(x.shape[0])[:, None]
    pe = jnp.take(pos_table, positions, axis=0)  # [S,1,D]
    pe = jnp.squeeze(pe, axis=1)                 # [S,D]
    return x + pe

if __name__ == "__main__":
    import jax
    _d = setup_inputs()
    print(jax.jit(kernel)(*tuple(_d.values())))

</pallas_src>

<mosaic_0001>
#map = affine_map<(d0, d1) -> (0, 0)>
module attributes {stable_mosaic.version = 14 : i64} {
  func.func @_sc_add(%arg0: i32, %arg1: i32, %arg2: memref<512x2048xf32, #tpu.memory_space<hbm>>, %arg3: memref<512x2048xf32, #tpu.memory_space<hbm>>, %arg4: memref<512x2048xf32, #tpu.memory_space<hbm>>, %arg5: memref<4x2048xf32, #tpu.memory_space<vmem>>, %arg6: memref<4x2048xf32, #tpu.memory_space<vmem>>, %arg7: memref<4x2048xf32, #tpu.memory_space<vmem>>, %arg8: memref<4x2048xf32, #tpu.memory_space<vmem>>, %arg9: memref<4x2048xf32, #tpu.memory_space<vmem>>, %arg10: memref<4x2048xf32, #tpu.memory_space<vmem>>, %arg11: memref<4x2048xf32, #tpu.memory_space<vmem>>, %arg12: memref<4x2048xf32, #tpu.memory_space<vmem>>, %arg13: memref<!tpu.dma_semaphore, #tpu.memory_space<semaphore_mem>>, %arg14: memref<!tpu.dma_semaphore, #tpu.memory_space<semaphore_mem>>, %arg15: memref<!tpu.dma_semaphore, #tpu.memory_space<semaphore_mem>>, %arg16: memref<!tpu.dma_semaphore, #tpu.memory_space<semaphore_mem>>, %arg17: memref<!tpu.dma_semaphore, #tpu.memory_space<semaphore_mem>>, %arg18: memref<!tpu.dma_semaphore, #tpu.memory_space<semaphore_mem>>, %arg19: memref<!tpu.dma_semaphore, #tpu.memory_space<semaphore_mem>>, %arg20: memref<!tpu.dma_semaphore, #tpu.memory_space<semaphore_mem>>) attributes {dimension_semantics = [#tpu.dimension_semantics<core_parallel>, #tpu.dimension_semantics<subcore_parallel>], iteration_bounds = array<i64: 2, 16>, scalar_prefetch = 0 : i64, scratch_operands = 16 : i64, tpu.core_type = #tpu.core_type<sc_vector_subcore>, window_params = [{transform_indices = #map}, {transform_indices = #map}, {transform_indices = #map}]} {
    %mul3A = arith.constant 2 : i32
    %mul3A_0 = arith.muli %arg1, %mul3A : i32
    %add3A = arith.addi %mul3A_0, %arg0 : i32
    %mul3A_1 = arith.constant 16 : i32
    %mul3A_2 = arith.muli %add3A, %mul3A_1 : i32
    %scan3A = arith.constant 0 : i32
    %scan3A_3 = arith.constant 0 : i32
    %mul3A_4 = arith.constant 4 : i32
    %mul3A_5 = arith.muli %scan3A_3, %mul3A_4 : i32
    %add3A_6 = arith.constant 0 : i32
    %add3A_7 = arith.addi %mul3A_5, %add3A_6 : i32
    %mul3A_8 = arith.constant 4 : i32
    %mul3A_9 = arith.muli %add3A_7, %mul3A_8 : i32
    %add3A_10 = arith.addi %mul3A_2, %mul3A_9 : i32
    %dma_start3A = arith.constant 0 : i32
    %dma_start3A_11 = tpu.memref_slice %arg2[%add3A_10, %dma_start3A] : memref<512x2048xf32, #tpu.memory_space<hbm>> -> memref<4x2048xf32, #tpu.memory_space<hbm>>
    %dma_start3A_12 = arith.constant 0 : i32
    %dma_start3A_13 = tpu.memref_slice %arg2[%add3A_10, %dma_start3A_12] : memref<512x2048xf32, #tpu.memory_space<hbm>> -> memref<4x2048xf32, #tpu.memory_space<hbm>>
    tpu.enqueue_dma source(%dma_start3A_13 : memref<4x2048xf32, #tpu.memory_space<hbm>>) target(%arg5 : memref<4x2048xf32, #tpu.memory_space<vmem>>) target_semaphore(%arg13 : memref<!tpu.dma_semaphore, #tpu.memory_space<semaphore_mem>>)
    %dma_start3A_14 = arith.constant 0 : i32
    %dma_start3A_15 = tpu.memref_slice %arg3[%add3A_10, %dma_start3A_14] : memref<512x2048xf32, #tpu.memory_space<hbm>> -> memref<4x2048xf32, #tpu.memory_space<hbm>>
    %dma_start3A_16 = arith.constant 0 : i32
    %dma_start3A_17 = tpu.memref_slice %arg3[%add3A_10, %dma_start3A_16] : memref<512x2048xf32, #tpu.memory_space<hbm>> -> memref<4x2048xf32, #tpu.memory_space<hbm>>
    tpu.enqueue_dma source(%dma_start3A_17 : memref<4x2048xf32, #tpu.memory_space<hbm>>) target(%arg9 : memref<4x2048xf32, #tpu.memory_space<vmem>>) target_semaphore(%arg13 : memref<!tpu.dma_semaphore, #tpu.memory_space<semaphore_mem>>)
    %mul3A_18 = arith.constant 4 : i32
    %mul3A_19 = arith.muli %scan3A_3, %mul3A_18 : i32
    %add3A_20 = arith.constant 1 : i32
    %add3A_21 = arith.addi %mul3A_19, %add3A_20 : i32
    %mul3A_22 = arith.constant 4 : i32
    %mul3A_23 = arith.muli %add3A_21, %mul3A_22 : i32
    %add3A_24 = arith.addi %mul3A_2, %mul3A_23 : i32
    %dma_start3A_25 = arith.constant 0 : i32
    %dma_start3A_26 = tpu.memref_slice %arg2[%add3A_24, %dma_start3A_25] : memref<512x2048xf32, #tpu.memory_space<hbm>> -> memref<4x2048xf32, #tpu.memory_space<hbm>>
    %dma_start3A_27 = arith.constant 0 : i32
    %dma_start3A_28 = tpu.memref_slice %arg2[%add3A_24, %dma_start3A_27] : memref<512x2048xf32, #tpu.memory_space<hbm>> -> memref<4x2048xf32, #tpu.memory_space<hbm>>
    tpu.enqueue_dma source(%dma_start3A_28 : memref<4x2048xf32, #tpu.memory_space<hbm>>) target(%arg6 : memref<4x2048xf32, #tpu.memory_space<vmem>>) target_semaphore(%arg14 : memref<!tpu.dma_semaphore, #tpu.memory_space<semaphore_mem>>)
    %dma_start3A_29 = arith.constant 0 : i32
    %dma_start3A_30 = tpu.memref_slice %arg3[%add3A_24, %dma_start3A_29] : memref<512x2048xf32, #tpu.memory_space<hbm>> -> memref<4x2048xf32, #tpu.memory_space<hbm>>
    %dma_start3A_31 = arith.constant 0 : i32
    %dma_start3A_32 = tpu.memref_slice %arg3[%add3A_24, %dma_start3A_31] : memref<512x2048xf32, #tpu.memory_space<hbm>> -> memref<4x2048xf32, #tpu.memory_space<hbm>>
    tpu.enqueue_dma source(%dma_start3A_32 : memref<4x2048xf32, #tpu.memory_space<hbm>>) target(%arg10 : memref<4x2048xf32, #tpu.memory_space<vmem>>) target_semaphore(%arg14 : memref<!tpu.dma_semaphore, #tpu.memory_space<semaphore_mem>>)
    %mul3A_33 = arith.constant 4 : i32
    %mul3A_34 = arith.muli %scan3A_3, %mul3A_33 : i32
    %add3A_35 = arith.constant 2 : i32
    %add3A_36 = arith.addi %mul3A_34, %add3A_35 : i32
    %mul3A_37 = arith.constant 4 : i32
    %mul3A_38 = arith.muli %add3A_36, %mul3A_37 : i32
    %add3A_39 = arith.addi %mul3A_2, %mul3A_38 : i32
    %dma_start3A_40 = arith.constant 0 : i32
    %dma_start3A_41 = tpu.memref_slice %arg2[%add3A_39, %dma_start3A_40] : memref<512x2048xf32, #tpu.memory_space<hbm>> -> memref<4x2048xf32, #tpu.memory_space<hbm>>
    %dma_start3A_42 = arith.constant 0 : i32
    %dma_start3A_43 = tpu.memref_slice %arg2[%add3A_39, %dma_start3A_42] : memref<512x2048xf32, #tpu.memory_space<hbm>> -> memref<4x2048xf32, #tpu.memory_space<hbm>>
    tpu.enqueue_dma source(%dma_start3A_43 : memref<4x2048xf32, #tpu.memory_space<hbm>>) target(%arg7 : memref<4x2048xf32, #tpu.memory_space<vmem>>) target_semaphore(%arg15 : memref<!tpu.dma_semaphore, #tpu.memory_space<semaphore_mem>>)
    %dma_start3A_44 = arith.constant 0 : i32
    %dma_start3A_45 = tpu.memref_slice %arg3[%add3A_39, %dma_start3A_44] : memref<512x2048xf32, #tpu.memory_space<hbm>> -> memref<4x2048xf32, #tpu.memory_space<hbm>>
    %dma_start3A_46 = arith.constant 0 : i32
    %dma_start3A_47 = tpu.memref_slice %arg3[%add3A_39, %dma_start3A_46] : memref<512x2048xf32, #tpu.memory_space<hbm>> -> memref<4x2048xf32, #tpu.memory_space<hbm>>
    tpu.enqueue_dma source(%dma_start3A_47 : memref<4x2048xf32, #tpu.memory_space<hbm>>) target(%arg11 : memref<4x2048xf32, #tpu.memory_space<vmem>>) target_semaphore(%arg15 : memref<!tpu.dma_semaphore, #tpu.memory_space<semaphore_mem>>)
    %mul3A_48 = arith.constant 4 : i32
    %mul3A_49 = arith.muli %scan3A_3, %mul3A_48 : i32
    %add3A_50 = arith.constant 3 : i32
    %add3A_51 = arith.addi %mul3A_49, %add3A_50 : i32
    %mul3A_52 = arith.constant 4 : i32
    %mul3A_53 = arith.muli %add3A_51, %mul3A_52 : i32
    %add3A_54 = arith.addi %mul3A_2, %mul3A_53 : i32
    %dma_start3A_55 = arith.constant 0 : i32
    %dma_start3A_56 = tpu.memref_slice %arg2[%add3A_54, %dma_start3A_55] : memref<512x2048xf32, #tpu.memory_space<hbm>> -> memref<4x2048xf32, #tpu.memory_space<hbm>>
    %dma_start3A_57 = arith.constant 0 : i32
    %dma_start3A_58 = tpu.memref_slice %arg2[%add3A_54, %dma_start3A_57] : memref<512x2048xf32, #tpu.memory_space<hbm>> -> memref<4x2048xf32, #tpu.memory_space<hbm>>
    tpu.enqueue_dma source(%dma_start3A_58 : memref<4x2048xf32, #tpu.memory_space<hbm>>) target(%arg8 : memref<4x2048xf32, #tpu.memory_space<vmem>>) target_semaphore(%arg16 : memref<!tpu.dma_semaphore, #tpu.memory_space<semaphore_mem>>)
    %dma_start3A_59 = arith.constant 0 : i32
    %dma_start3A_60 = tpu.memref_slice %arg3[%add3A_54, %dma_start3A_59] : memref<512x2048xf32, #tpu.memory_space<hbm>> -> memref<4x2048xf32, #tpu.memory_space<hbm>>
    %dma_start3A_61 = arith.constant 0 : i32
    %dma_start3A_62 = tpu.memref_slice %arg3[%add3A_54, %dma_start3A_61] : memref<512x2048xf32, #tpu.memory_space<hbm>> -> memref<4x2048xf32, #tpu.memory_space<hbm>>
    tpu.enqueue_dma source(%dma_start3A_62 : memref<4x2048xf32, #tpu.memory_space<hbm>>) target(%arg12 : memref<4x2048xf32, #tpu.memory_space<vmem>>) target_semaphore(%arg16 : memref<!tpu.dma_semaphore, #tpu.memory_space<semaphore_mem>>)
    %dma_wait3A = arith.constant 0 : i32
    %dma_wait3A_63 = arith.constant 0 : i32
    %dma_wait3A_64 = tpu.memref_slice %arg2[%dma_wait3A, %dma_wait3A_63] : memref<512x2048xf32, #tpu.memory_space<hbm>> -> memref<4x2048xf32, #tpu.memory_space<hbm>>
    %dma_wait3A_65 = arith.constant 0 : i32
    %dma_wait3A_66 = arith.constant 0 : i32
    %dma_wait3A_67 = tpu.memref_slice %arg2[%dma_wait3A_65, %dma_wait3A_66] : memref<512x2048xf32, #tpu.memory_space<hbm>> -> memref<4x2048xf32, #tpu.memory_space<hbm>>
    tpu.wait_dma2 semaphore(%arg13 : memref<!tpu.dma_semaphore, #tpu.memory_space<semaphore_mem>>) src(%dma_wait3A_67 : memref<4x2048xf32, #tpu.memory_space<hbm>>) dst(%arg5 : memref<4x2048xf32, #tpu.memory_space<vmem>>)
    %dma_wait3A_68 = arith.constant 0 : i32
    %dma_wait3A_69 = arith.constant 0 : i32
    %dma_wait3A_70 = tpu.memref_slice %arg3[%dma_wait3A_68, %dma_wait3A_69] : memref<512x2048xf32, #tpu.memory_space<hbm>> -> memref<4x2048xf32, #tpu.memory_space<hbm>>
    %dma_wait3A_71 = arith.constant 0 : i32
    %dma_wait3A_72 = arith.constant 0 : i32
    %dma_wait3A_73 = tpu.memref_slice %arg3[%dma_wait3A_71, %dma_wait3A_72] : memref<512x2048xf32, #tpu.memory_space<hbm>> -> memref<4x2048xf32, #tpu.memory_space<hbm>>
    tpu.wait_dma2 semaphore(%arg13 : memref<!tpu.dma_semaphore, #tpu.memory_space<semaphore_mem>>) src(%dma_wait3A_73 : memref<4x2048xf32, #tpu.memory_space<hbm>>) dst(%arg9 : memref<4x2048xf32, #tpu.memory_space<vmem>>)
    %scan3A_74 = arith.constant 0 : i32
    %scan3A_75 = arith.constant 0 : i32
    %scan3A_76 = arith.constant 128 : i32
    %scan3A_77 = arith.addi %scan3A_75, %scan3A_76 : i32
    %scan3A_78 = arith.constant 1 : i32
    %scan3A_79 = scf.for %scan3A_208 = %scan3A_75 to %scan3A_77 step %scan3A_78 iter_args(%scan3A_209 = %scan3A_74) -> (i32)  : i32 {
      %mul3A_210 = arith.constant 16 : i32
      %mul3A_211 = arith.muli %scan3A_208, %mul3A_210 : i32
      %get3A = arith.constant 0 : i32
      %get3A_212 = arith.index_cast %get3A : i32 to index
      %get3A_213 = arith.index_cast %mul3A_211 : i32 to index
      %get3A_214 = tpu.vector_load %arg9[%get3A_212, %get3A_213] {strides = array<i32>} : memref<4x2048xf32, #tpu.memory_space<vmem>>, vector<1x16xf32>,
      %get3A_215 = vector.shape_cast %get3A_214 : vector<1x16xf32> to vector<16xf32>
      %swap3A = arith.constant 0 : i32
      %swap3A_216 = arith.index_cast %swap3A : i32 to index
      %swap3A_217 = arith.index_cast %mul3A_211 : i32 to index
      %swap3A_218 = tpu.vector_load %arg5[%swap3A_216, %swap3A_217] {strides = array<i32>} : memref<4x2048xf32, #tpu.memory_space<vmem>>, vector<1x16xf32>,
      %swap3A_219 = vector.shape_cast %swap3A_218 : vector<1x16xf32> to vector<16xf32>
      %swap3A_220 = vector.shape_cast %get3A_215 : vector<16xf32> to vector<1x16xf32>
      tpu.vector_store %arg5[%swap3A_216, %swap3A_217], %swap3A_220 {add = true, strides = array<i32>} : memref<4x2048xf32, #tpu.memory_space<vmem>>, vector<1x16xf32>,
      %get3A_221 = arith.constant 1 : i32
      %get3A_222 = arith.index_cast %get3A_221 : i32 to index
      %get3A_223 = arith.index_cast %mul3A_211 : i32 to index
      %get3A_224 = tpu.vector_load %arg9[%get3A_222, %get3A_223] {strides = array<i32>} : memref<4x2048xf32, #tpu.memory_space<vmem>>, vector<1x16xf32>,
      %get3A_225 = vector.shape_cast %get3A_224 : vector<1x16xf32> to vector<16xf32>
      %swap3A_226 = arith.constant 1 : i32
      %swap3A_227 = arith.index_cast %swap3A_226 : i32 to index
      %swap3A_228 = arith.index_cast %mul3A_211 : i32 to index
      %swap3A_229 = tpu.vector_load %arg5[%swap3A_227, %swap3A_228] {strides = array<i32>} : memref<4x2048xf32, #tpu.memory_space<vmem>>, vector<1x16xf32>,
      %swap3A_230 = vector.shape_cast %swap3A_229 : vector<1x16xf32> to vector<16xf32>
      %swap3A_231 = vector.shape_cast %get3A_225 : vector<16xf32> to vector<1x16xf32>
      tpu.vector_store %arg5[%swap3A_227, %swap3A_228], %swap3A_231 {add = true, strides = array<i32>} : memref<4x2048xf32, #tpu.memory_space<vmem>>, vector<1x16xf32>,
      %get3A_232 = arith.constant 2 : i32
      %get3A_233 = arith.index_cast %get3A_232 : i32 to index
      %get3A_234 = arith.index_cast %mul3A_211 : i32 to index
      %get3A_235 = tpu.vector_load %arg9[%get3A_233, %get3A_234] {strides = array<i32>} : memref<4x2048xf32, #tpu.memory_space<vmem>>, vector<1x16xf32>,
      %get3A_236 = vector.shape_cast %get3A_235 : vector<1x16xf32> to vector<16xf32>
      %swap3A_237 = arith.constant 2 : i32
      %swap3A_238 = arith.index_cast %swap3A_237 : i32 to index
      %swap3A_239 = arith.index_cast %mul3A_211 : i32 to index
      %swap3A_240 = tpu.vector_load %arg5[%swap3A_238, %swap3A_239] {strides = array<i32>} : memref<4x2048xf32, #tpu.memory_space<vmem>>, vector<1x16xf32>,
      %swap3A_241 = vector.shape_cast %swap3A_240 : vector<1x16xf32> to vector<16xf32>
      %swap3A_242 = vector.shape_cast %get3A_236 : vector<16xf32> to vector<1x16xf32>
      tpu.vector_store %arg5[%swap3A_238, %swap3A_239], %swap3A_242 {add = true, strides = array<i32>} : memref<4x2048xf32, #tpu.memory_space<vmem>>, vector<1x16xf32>,
      %get3A_243 = arith.constant 3 : i32
      %get3A_244 = arith.index_cast %get3A_243 : i32 to index
      %get3A_245 = arith.index_cast %mul3A_211 : i32 to index
      %get3A_246 = tpu.vector_load %arg9[%get3A_244, %get3A_245] {strides = array<i32>} : memref<4x2048xf32, #tpu.memory_space<vmem>>, vector<1x16xf32>,
      %get3A_247 = vector.shape_cast %get3A_246 : vector<1x16xf32> to vector<16xf32>
      %swap3A_248 = arith.constant 3 : i32
      %swap3A_249 = arith.index_cast %swap3A_248 : i32 to index
      %swap3A_250 = arith.index_cast %mul3A_211 : i32 to index
      %swap3A_251 = tpu.vector_load %arg5[%swap3A_249, %swap3A_250] {strides = array<i32>} : memref<4x2048xf32, #tpu.memory_space<vmem>>, vector<1x16xf32>,
      %swap3A_252 = vector.shape_cast %swap3A_251 : vector<1x16xf32> to vector<16xf32>
      %swap3A_253 = vector.shape_cast %get3A_247 : vector<16xf32> to vector<1x16xf32>
      tpu.vector_store %arg5[%swap3A_249, %swap3A_250], %swap3A_253 {add = true, strides = array<i32>} : memref<4x2048xf32, #tpu.memory_space<vmem>>, vector<1x16xf32>,
      %scan3A_254 = arith.constant 0 : i32
      scf.yield %scan3A_254 : i32
    }
    %scan3A_80 = arith.constant 128 : i32
    %mul3A_81 = arith.constant 4 : i32
    %mul3A_82 = arith.muli %scan3A_3, %mul3A_81 : i32
    %add3A_83 = arith.constant 0 : i32
    %add3A_84 = arith.addi %mul3A_82, %add3A_83 : i32
    %mul3A_85 = arith.constant 4 : i32
    %mul3A_86 = arith.muli %add3A_84, %mul3A_85 : i32
    %add3A_87 = arith.addi %mul3A_2, %mul3A_86 : i32
    %dma_start3A_88 = arith.constant 0 : i32
    %dma_start3A_89 = tpu.memref_slice %arg4[%add3A_87, %dma_start3A_88] : memref<512x2048xf32, #tpu.memory_space<hbm>> -> memref<4x2048xf32, #tpu.memory_space<hbm>>
    %dma_start3A_90 = arith.constant 0 : i32
    %dma_start3A_91 = tpu.memref_slice %arg4[%add3A_87, %dma_start3A_90] : memref<512x2048xf32, #tpu.memory_space<hbm>> -> memref<4x2048xf32, #tpu.memory_space<hbm>>
    tpu.enqueue_dma source(%arg5 : memref<4x2048xf32, #tpu.memory_space<vmem>>) target(%dma_start3A_91 : memref<4x2048xf32, #tpu.memory_space<hbm>>) target_semaphore(%arg17 : memref<!tpu.dma_semaphore, #tpu.memory_space<semaphore_mem>>)
    %dma_wait3A_92 = arith.constant 0 : i32
    %dma_wait3A_93 = arith.constant 0 : i32
    %dma_wait3A_94 = tpu.memref_slice %arg2[%dma_wait3A_92, %dma_wait3A_93] : memref<512x2048xf32, #tpu.memory_space<hbm>> -> memref<4x2048xf32, #tpu.memory_space<hbm>>
    %dma_wait3A_95 = arith.constant 0 : i32
    %dma_wait3A_96 = arith.constant 0 : i32
    %dma_wait3A_97 = tpu.memref_slice %arg2[%dma_wait3A_95, %dma_wait3A_96] : memref<512x2048xf32, #tpu.memory_space<hbm>> -> memref<4x2048xf32, #tpu.memory_space<hbm>>
    tpu.wait_dma2 semaphore(%arg14 : memref<!tpu.dma_semaphore, #tpu.memory_space<semaphore_mem>>) src(%dma_wait3A_97 : memref<4x2048xf32, #tpu.memory_space<hbm>>) dst(%arg6 : memref<4x2048xf32, #tpu.memory_space<vmem>>)
    %dma_wait3A_98 = arith.constant 0 : i32
    %dma_wait3A_99 = arith.constant 0 : i32
    %dma_wait3A_100 = tpu.memref_slice %arg3[%dma_wait3A_98, %dma_wait3A_99] : memref<512x2048xf32, #tpu.memory_space<hbm>> -> memref<4x2048xf32, #tpu.memory_space<hbm>>
    %dma_wait3A_101 = arith.constant 0 : i32
    %dma_wait3A_102 = arith.constant 0 : i32
    %dma_wait3A_103 = tpu.memref_slice %arg3[%dma_wait3A_101, %dma_wait3A_102] : memref<512x2048xf32, #tpu.memory_space<hbm>> -> memref<4x2048xf32, #tpu.memory_space<hbm>>
    tpu.wait_dma2 semaphore(%arg14 : memref<!tpu.dma_semaphore, #tpu.memory_space<semaphore_mem>>) src(%dma_wait3A_103 : memref<4x2048xf32, #tpu.memory_space<hbm>>) dst(%arg10 : memref<4x2048xf32, #tpu.memory_space<vmem>>)
    %scan3A_104 = arith.constant 0 : i32
    %scan3A_105 = arith.constant 0 : i32
    %scan3A_106 = arith.constant 128 : i32
    %scan3A_107 = arith.addi %scan3A_105, %scan3A_106 : i32
    %scan3A_108 = arith.constant 1 : i32
    %scan3A_109 = scf.for %scan3A_208 = %scan3A_105 to %scan3A_107 step %scan3A_108 iter_args(%scan3A_209 = %scan3A_104) -> (i32)  : i32 {
      %mul3A_210 = arith.constant 16 : i32
      %mul3A_211 = arith.muli %scan3A_208, %mul3A_210 : i32
      %get3A = arith.constant 0 : i32
      %get3A_212 = arith.index_cast %get3A : i32 to index
      %get3A_213 = arith.index_cast %mul3A_211 : i32 to index
      %get3A_214 = tpu.vector_load %arg10[%get3A_212, %get3A_213] {strides = array<i32>} : memref<4x2048xf32, #tpu.memory_space<vmem>>, vector<1x16xf32>,
      %get3A_215 = vector.shape_cast %get3A_214 : vector<1x16xf32> to vector<16xf32>
      %swap3A = arith.constant 0 : i32
      %swap3A_216 = arith.index_cast %swap3A : i32 to index
      %swap3A_217 = arith.index_cast %mul3A_211 : i32 to index
      %swap3A_218 = tpu.vector_load %arg6[%swap3A_216, %swap3A_217] {strides = array<i32>} : memref<4x2048xf32, #tpu.memory_space<vmem>>, vector<1x16xf32>,
      %swap3A_219 = vector.shape_cast %swap3A_218 : vector<1x16xf32> to vector<16xf32>
      %swap3A_220 = vector.shape_cast %get3A_215 : vector<16xf32> to vector<1x16xf32>
      tpu.vector_store %arg6[%swap3A_216, %swap3A_217], %swap3A_220 {add = true, strides = array<i32>} : memref<4x2048xf32, #tpu.memory_space<vmem>>, vector<1x16xf32>,
      %get3A_221 = arith.constant 1 : i32
      %get3A_222 = arith.index_cast %get3A_221 : i32 to index
      %get3A_223 = arith.index_cast %mul3A_211 : i32 to index
      %get3A_224 = tpu.vector_load %arg10[%get3A_222, %get3A_223] {strides = array<i32>} : memref<4x2048xf32, #tpu.memory_space<vmem>>, vector<1x16xf32>,
      %get3A_225 = vector.shape_cast %get3A_224 : vector<1x16xf32> to vector<16xf32>
      %swap3A_226 = arith.constant 1 : i32
      %swap3A_227 = arith.index_cast %swap3A_226 : i32 to index
      %swap3A_228 = arith.index_cast %mul3A_211 : i32 to index
      %swap3A_229 = tpu.vector_load %arg6[%swap3A_227, %swap3A_228] {strides = array<i32>} : memref<4x2048xf32, #tpu.memory_space<vmem>>, vector<1x16xf32>,
      %swap3A_230 = vector.shape_cast %swap3A_229 : vector<1x16xf32> to vector<16xf32>
      %swap3A_231 = vector.shape_cast %get3A_225 : vector<16xf32> to vector<1x16xf32>
      tpu.vector_store %arg6[%swap3A_227, %swap3A_228], %swap3A_231 {add = true, strides = array<i32>} : memref<4x2048xf32, #tpu.memory_space<vmem>>, vector<1x16xf32>,
      %get3A_232 = arith.constant 2 : i32
      %get3A_233 = arith.index_cast %get3A_232 : i32 to index
      %get3A_234 = arith.index_cast %mul3A_211 : i32 to index
      %get3A_235 = tpu.vector_load %arg10[%get3A_233, %get3A_234] {strides = array<i32>} : memref<4x2048xf32, #tpu.memory_space<vmem>>, vector<1x16xf32>,
      %get3A_236 = vector.shape_cast %get3A_235 : vector<1x16xf32> to vector<16xf32>
      %swap3A_237 = arith.constant 2 : i32
      %swap3A_238 = arith.index_cast %swap3A_237 : i32 to index
      %swap3A_239 = arith.index_cast %mul3A_211 : i32 to index
      %swap3A_240 = tpu.vector_load %arg6[%swap3A_238, %swap3A_239] {strides = array<i32>} : memref<4x2048xf32, #tpu.memory_space<vmem>>, vector<1x16xf32>,
      %swap3A_241 = vector.shape_cast %swap3A_240 : vector<1x16xf32> to vector<16xf32>
      %swap3A_242 = vector.shape_cast %get3A_236 : vector<16xf32> to vector<1x16xf32>
      tpu.vector_store %arg6[%swap3A_238, %swap3A_239], %swap3A_242 {add = true, strides = array<i32>} : memref<4x2048xf32, #tpu.memory_space<vmem>>, vector<1x16xf32>,
      %get3A_243 = arith.constant 3 : i32
      %get3A_244 = arith.index_cast %get3A_243 : i32 to index
      %get3A_245 = arith.index_cast %mul3A_211 : i32 to index
      %get3A_246 = tpu.vector_load %arg10[%get3A_244, %get3A_245] {strides = array<i32>} : memref<4x2048xf32, #tpu.memory_space<vmem>>, vector<1x16xf32>,
      %get3A_247 = vector.shape_cast %get3A_246 : vector<1x16xf32> to vector<16xf32>
      %swap3A_248 = arith.constant 3 : i32
      %swap3A_249 = arith.index_cast %swap3A_248 : i32 to index
      %swap3A_250 = arith.index_cast %mul3A_211 : i32 to index
      %swap3A_251 = tpu.vector_load %arg6[%swap3A_249, %swap3A_250] {strides = array<i32>} : memref<4x2048xf32, #tpu.memory_space<vmem>>, vector<1x16xf32>,
      %swap3A_252 = vector.shape_cast %swap3A_251 : vector<1x16xf32> to vector<16xf32>
      %swap3A_253 = vector.shape_cast %get3A_247 : vector<16xf32> to vector<1x16xf32>
      tpu.vector_store %arg6[%swap3A_249, %swap3A_250], %swap3A_253 {add = true, strides = array<i32>} : memref<4x2048xf32, #tpu.memory_space<vmem>>, vector<1x16xf32>,
      %scan3A_254 = arith.constant 0 : i32
      scf.yield %scan3A_254 : i32
    }
    %scan3A_110 = arith.constant 128 : i32
    %mul3A_111 = arith.constant 4 : i32
    %mul3A_112 = arith.muli %scan3A_3, %mul3A_111 : i32
    %add3A_113 = arith.constant 1 : i32
    %add3A_114 = arith.addi %mul3A_112, %add3A_113 : i32
    %mul3A_115 = arith.constant 4 : i32
    %mul3A_116 = arith.muli %add3A_114, %mul3A_115 : i32
    %add3A_117 = arith.addi %mul3A_2, %mul3A_116 : i32
    %dma_start3A_118 = arith.constant 0 : i32
    %dma_start3A_119 = tpu.memref_slice %arg4[%add3A_117, %dma_start3A_118] : memref<512x2048xf32, #tpu.memory_space<hbm>> -> memref<4x2048xf32, #tpu.memory_space<hbm>>
    %dma_start3A_120 = arith.constant 0 : i32
    %dma_start3A_121 = tpu.memref_slice %arg4[%add3A_117, %dma_start3A_120] : memref<512x2048xf32, #tpu.memory_space<hbm>> -> memref<4x2048xf32, #tpu.memory_space<hbm>>
    tpu.enqueue_dma source(%arg6 : memref<4x2048xf32, #tpu.memory_space<vmem>>) target(%dma_start3A_121 : memref<4x2048xf32, #tpu.memory_space<hbm>>) target_semaphore(%arg18 : memref<!tpu.dma_semaphore, #tpu.memory_space<semaphore_mem>>)
    %dma_wait3A_122 = arith.constant 0 : i32
    %dma_wait3A_123 = arith.constant 0 : i32
    %dma_wait3A_124 = tpu.memref_slice %arg2[%dma_wait3A_122, %dma_wait3A_123] : memref<512x2048xf32, #tpu.memory_space<hbm>> -> memref<4x2048xf32, #tpu.memory_space<hbm>>
    %dma_wait3A_125 = arith.constant 0 : i32
    %dma_wait3A_126 = arith.constant 0 : i32
    %dma_wait3A_127 = tpu.memref_slice %arg2[%dma_wait3A_125, %dma_wait3A_126] : memref<512x2048xf32, #tpu.memory_space<hbm>> -> memref<4x2048xf32, #tpu.memory_space<hbm>>
    tpu.wait_dma2 semaphore(%arg15 : memref<!tpu.dma_semaphore, #tpu.memory_space<semaphore_mem>>) src(%dma_wait3A_127 : memref<4x2048xf32, #tpu.memory_space<hbm>>) dst(%arg7 : memref<4x2048xf32, #tpu.memory_space<vmem>>)
    %dma_wait3A_128 = arith.constant 0 : i32
    %dma_wait3A_129 = arith.constant 0 : i32
    %dma_wait3A_130 = tpu.memref_slice %arg3[%dma_wait3A_128, %dma_wait3A_129] : memref<512x2048xf32, #tpu.memory_space<hbm>> -> memref<4x2048xf32, #tpu.memory_space<hbm>>
    %dma_wait3A_131 = arith.constant 0 : i32
    %dma_wait3A_132 = arith.constant 0 : i32
    %dma_wait3A_133 = tpu.memref_slice %arg3[%dma_wait3A_131, %dma_wait3A_132] : memref<512x2048xf32, #tpu.memory_space<hbm>> -> memref<4x2048xf32, #tpu.memory_space<hbm>>
    tpu.wait_dma2 semaphore(%arg15 : memref<!tpu.dma_semaphore, #tpu.memory_space<semaphore_mem>>) src(%dma_wait3A_133 : memref<4x2048xf32, #tpu.memory_space<hbm>>) dst(%arg11 : memref<4x2048xf32, #tpu.memory_space<vmem>>)
    %scan3A_134 = arith.constant 0 : i32
    %scan3A_135 = arith.constant 0 : i32
    %scan3A_136 = arith.constant 128 : i32
    %scan3A_137 = arith.addi %scan3A_135, %scan3A_136 : i32
    %scan3A_138 = arith.constant 1 : i32
    %scan3A_139 = scf.for %scan3A_208 = %scan3A_135 to %scan3A_137 step %scan3A_138 iter_args(%scan3A_209 = %scan3A_134) -> (i32)  : i32 {
      %mul3A_210 = arith.constant 16 : i32
      %mul3A_211 = arith.muli %scan3A_208, %mul3A_210 : i32
      %get3A = arith.constant 0 : i32
      %get3A_212 = arith.index_cast %get3A : i32 to index
      %get3A_213 = arith.index_cast %mul3A_211 : i32 to index
      %get3A_214 = tpu.vector_load %arg11[%get3A_212, %get3A_213] {strides = array<i32>} : memref<4x2048xf32, #tpu.memory_space<vmem>>, vector<1x16xf32>,
      %get3A_215 = vector.shape_cast %get3A_214 : vector<1x16xf32> to vector<16xf32>
      %swap3A = arith.constant 0 : i32
      %swap3A_216 = arith.index_cast %swap3A : i32 to index
      %swap3A_217 = arith.index_cast %mul3A_211 : i32 to index
      %swap3A_218 = tpu.vector_load %arg7[%swap3A_216, %swap3A_217] {strides = array<i32>} : memref<4x2048xf32, #tpu.memory_space<vmem>>, vector<1x16xf32>,
      %swap3A_219 = vector.shape_cast %swap3A_218 : vector<1x16xf32> to vector<16xf32>
      %swap3A_220 = vector.shape_cast %get3A_215 : vector<16xf32> to vector<1x16xf32>
      tpu.vector_store %arg7[%swap3A_216, %swap3A_217], %swap3A_220 {add = true, strides = array<i32>} : memref<4x2048xf32, #tpu.memory_space<vmem>>, vector<1x16xf32>,
      %get3A_221 = arith.constant 1 : i32
      %get3A_222 = arith.index_cast %get3A_221 : i32 to index
      %get3A_223 = arith.index_cast %mul3A_211 : i32 to index
      %get3A_224 = tpu.vector_load %arg11[%get3A_222, %get3A_223] {strides = array<i32>} : memref<4x2048xf32, #tpu.memory_space<vmem>>, vector<1x16xf32>,
      %get3A_225 = vector.shape_cast %get3A_224 : vector<1x16xf32> to vector<16xf32>
      %swap3A_226 = arith.constant 1 : i32
      %swap3A_227 = arith.index_cast %swap3A_226 : i32 to index
      %swap3A_228 = arith.index_cast %mul3A_211 : i32 to index
      %swap3A_229 = tpu.vector_load %arg7[%swap3A_227, %swap3A_228] {strides = array<i32>} : memref<4x2048xf32, #tpu.memory_space<vmem>>, vector<1x16xf32>,
      %swap3A_230 = vector.shape_cast %swap3A_229 : vector<1x16xf32> to vector<16xf32>
      %swap3A_231 = vector.shape_cast %get3A_225 : vector<16xf32> to vector<1x16xf32>
      tpu.vector_store %arg7[%swap3A_227, %swap3A_228], %swap3A_231 {add = true, strides = array<i32>} : memref<4x2048xf32, #tpu.memory_space<vmem>>, vector<1x16xf32>,
      %get3A_232 = arith.constant 2 : i32
      %get3A_233 = arith.index_cast %get3A_232 : i32 to index
      %get3A_234 = arith.index_cast %mul3A_211 : i32 to index
      %get3A_235 = tpu.vector_load %arg11[%get3A_233, %get3A_234] {strides = array<i32>} : memref<4x2048xf32, #tpu.memory_space<vmem>>, vector<1x16xf32>,
      %get3A_236 = vector.shape_cast %get3A_235 : vector<1x16xf32> to vector<16xf32>
      %swap3A_237 = arith.constant 2 : i32
      %swap3A_238 = arith.index_cast %swap3A_237 : i32 to index
      %swap3A_239 = arith.index_cast %mul3A_211 : i32 to index
      %swap3A_240 = tpu.vector_load %arg7[%swap3A_238, %swap3A_239] {strides = array<i32>} : memref<4x2048xf32, #tpu.memory_space<vmem>>, vector<1x16xf32>,
      %swap3A_241 = vector.shape_cast %swap3A_240 : vector<1x16xf32> to vector<16xf32>
      %swap3A_242 = vector.shape_cast %get3A_236 : vector<16xf32> to vector<1x16xf32>
      tpu.vector_store %arg7[%swap3A_238, %swap3A_239], %swap3A_242 {add = true, strides = array<i32>} : memref<4x2048xf32, #tpu.memory_space<vmem>>, vector<1x16xf32>,
      %get3A_243 = arith.constant 3 : i32
      %get3A_244 = arith.index_cast %get3A_243 : i32 to index
      %get3A_245 = arith.index_cast %mul3A_211 : i32 to index
      %get3A_246 = tpu.vector_load %arg11[%get3A_244, %get3A_245] {strides = array<i32>} : memref<4x2048xf32, #tpu.memory_space<vmem>>, vector<1x16xf32>,
      %get3A_247 = vector.shape_cast %get3A_246 : vector<1x16xf32> to vector<16xf32>
      %swap3A_248 = arith.constant 3 : i32
      %swap3A_249 = arith.index_cast %swap3A_248 : i32 to index
      %swap3A_250 = arith.index_cast %mul3A_211 : i32 to index
      %swap3A_251 = tpu.vector_load %arg7[%swap3A_249, %swap3A_250] {strides = array<i32>} : memref<4x2048xf32, #tpu.memory_space<vmem>>, vector<1x16xf32>,
      %swap3A_252 = vector.shape_cast %swap3A_251 : vector<1x16xf32> to vector<16xf32>
      %swap3A_253 = vector.shape_cast %get3A_247 : vector<16xf32> to vector<1x16xf32>
      tpu.vector_store %arg7[%swap3A_249, %swap3A_250], %swap3A_253 {add = true, strides = array<i32>} : memref<4x2048xf32, #tpu.memory_space<vmem>>, vector<1x16xf32>,
      %scan3A_254 = arith.constant 0 : i32
      scf.yield %scan3A_254 : i32
    }
    %scan3A_140 = arith.constant 128 : i32
    %mul3A_141 = arith.constant 4 : i32
    %mul3A_142 = arith.muli %scan3A_3, %mul3A_141 : i32
    %add3A_143 = arith.constant 2 : i32
    %add3A_144 = arith.addi %mul3A_142, %add3A_143 : i32
    %mul3A_145 = arith.constant 4 : i32
    %mul3A_146 = arith.muli %add3A_144, %mul3A_145 : i32
    %add3A_147 = arith.addi %mul3A_2, %mul3A_146 : i32
    %dma_start3A_148 = arith.constant 0 : i32
    %dma_start3A_149 = tpu.memref_slice %arg4[%add3A_147, %dma_start3A_148] : memref<512x2048xf32, #tpu.memory_space<hbm>> -> memref<4x2048xf32, #tpu.memory_space<hbm>>
    %dma_start3A_150 = arith.constant 0 : i32
    %dma_start3A_151 = tpu.memref_slice %arg4[%add3A_147, %dma_start3A_150] : memref<512x2048xf32, #tpu.memory_space<hbm>> -> memref<4x2048xf32, #tpu.memory_space<hbm>>
    tpu.enqueue_dma source(%arg7 : memref<4x2048xf32, #tpu.memory_space<vmem>>) target(%dma_start3A_151 : memref<4x2048xf32, #tpu.memory_space<hbm>>) target_semaphore(%arg19 : memref<!tpu.dma_semaphore, #tpu.memory_space<semaphore_mem>>)
    %dma_wait3A_152 = arith.constant 0 : i32
    %dma_wait3A_153 = arith.constant 0 : i32
    %dma_wait3A_154 = tpu.memref_slice %arg2[%dma_wait3A_152, %dma_wait3A_153] : memref<512x2048xf32, #tpu.memory_space<hbm>> -> memref<4x2048xf32, #tpu.memory_space<hbm>>
    %dma_wait3A_155 = arith.constant 0 : i32
    %dma_wait3A_156 = arith.constant 0 : i32
    %dma_wait3A_157 = tpu.memref_slice %arg2[%dma_wait3A_155, %dma_wait3A_156] : memref<512x2048xf32, #tpu.memory_space<hbm>> -> memref<4x2048xf32, #tpu.memory_space<hbm>>
    tpu.wait_dma2 semaphore(%arg16 : memref<!tpu.dma_semaphore, #tpu.memory_space<semaphore_mem>>) src(%dma_wait3A_157 : memref<4x2048xf32, #tpu.memory_space<hbm>>) dst(%arg8 : memref<4x2048xf32, #tpu.memory_space<vmem>>)
    %dma_wait3A_158 = arith.constant 0 : i32
    %dma_wait3A_159 = arith.constant 0 : i32
    %dma_wait3A_160 = tpu.memref_slice %arg3[%dma_wait3A_158, %dma_wait3A_159] : memref<512x2048xf32, #tpu.memory_space<hbm>> -> memref<4x2048xf32, #tpu.memory_space<hbm>>
    %dma_wait3A_161 = arith.constant 0 : i32
    %dma_wait3A_162 = arith.constant 0 : i32
    %dma_wait3A_163 = tpu.memref_slice %arg3[%dma_wait3A_161, %dma_wait3A_162] : memref<512x2048xf32, #tpu.memory_space<hbm>> -> memref<4x2048xf32, #tpu.memory_space<hbm>>
    tpu.wait_dma2 semaphore(%arg16 : memref<!tpu.dma_semaphore, #tpu.memory_space<semaphore_mem>>) src(%dma_wait3A_163 : memref<4x2048xf32, #tpu.memory_space<hbm>>) dst(%arg12 : memref<4x2048xf32, #tpu.memory_space<vmem>>)
    %scan3A_164 = arith.constant 0 : i32
    %scan3A_165 = arith.constant 0 : i32
    %scan3A_166 = arith.constant 128 : i32
    %scan3A_167 = arith.addi %scan3A_165, %scan3A_166 : i32
    %scan3A_168 = arith.constant 1 : i32
    %scan3A_169 = scf.for %scan3A_208 = %scan3A_165 to %scan3A_167 step %scan3A_168 iter_args(%scan3A_209 = %scan3A_164) -> (i32)  : i32 {
      %mul3A_210 = arith.constant 16 : i32
      %mul3A_211 = arith.muli %scan3A_208, %mul3A_210 : i32
      %get3A = arith.constant 0 : i32
      %get3A_212 = arith.index_cast %get3A : i32 to index
      %get3A_213 = arith.index_cast %mul3A_211 : i32 to index
      %get3A_214 = tpu.vector_load %arg12[%get3A_212, %get3A_213] {strides = array<i32>} : memref<4x2048xf32, #tpu.memory_space<vmem>>, vector<1x16xf32>,
      %get3A_215 = vector.shape_cast %get3A_214 : vector<1x16xf32> to vector<16xf32>
      %swap3A = arith.constant 0 : i32
      %swap3A_216 = arith.index_cast %swap3A : i32 to index
      %swap3A_217 = arith.index_cast %mul3A_211 : i32 to index
      %swap3A_218 = tpu.vector_load %arg8[%swap3A_216, %swap3A_217] {strides = array<i32>} : memref<4x2048xf32, #tpu.memory_space<vmem>>, vector<1x16xf32>,
      %swap3A_219 = vector.shape_cast %swap3A_218 : vector<1x16xf32> to vector<16xf32>
      %swap3A_220 = vector.shape_cast %get3A_215 : vector<16xf32> to vector<1x16xf32>
      tpu.vector_store %arg8[%swap3A_216, %swap3A_217], %swap3A_220 {add = true, strides = array<i32>} : memref<4x2048xf32, #tpu.memory_space<vmem>>, vector<1x16xf32>,
      %get3A_221 = arith.constant 1 : i32
      %get3A_222 = arith.index_cast %get3A_221 : i32 to index
      %get3A_223 = arith.index_cast %mul3A_211 : i32 to index
      %get3A_224 = tpu.vector_load %arg12[%get3A_222, %get3A_223] {strides = array<i32>} : memref<4x2048xf32, #tpu.memory_space<vmem>>, vector<1x16xf32>,
      %get3A_225 = vector.shape_cast %get3A_224 : vector<1x16xf32> to vector<16xf32>
      %swap3A_226 = arith.constant 1 : i32
      %swap3A_227 = arith.index_cast %swap3A_226 : i32 to index
      %swap3A_228 = arith.index_cast %mul3A_211 : i32 to index
      %swap3A_229 = tpu.vector_load %arg8[%swap3A_227, %swap3A_228] {strides = array<i32>} : memref<4x2048xf32, #tpu.memory_space<vmem>>, vector<1x16xf32>,
      %swap3A_230 = vector.shape_cast %swap3A_229 : vector<1x16xf32> to vector<16xf32>
      %swap3A_231 = vector.shape_cast %get3A_225 : vector<16xf32> to vector<1x16xf32>
      tpu.vector_store %arg8[%swap3A_227, %swap3A_228], %swap3A_231 {add = true, strides = array<i32>} : memref<4x2048xf32, #tpu.memory_space<vmem>>, vector<1x16xf32>,
      %get3A_232 = arith.constant 2 : i32
      %get3A_233 = arith.index_cast %get3A_232 : i32 to index
      %get3A_234 = arith.index_cast %mul3A_211 : i32 to index
      %get3A_235 = tpu.vector_load %arg12[%get3A_233, %get3A_234] {strides = array<i32>} : memref<4x2048xf32, #tpu.memory_space<vmem>>, vector<1x16xf32>,
      %get3A_236 = vector.shape_cast %get3A_235 : vector<1x16xf32> to vector<16xf32>
      %swap3A_237 = arith.constant 2 : i32
      %swap3A_238 = arith.index_cast %swap3A_237 : i32 to index
      %swap3A_239 = arith.index_cast %mul3A_211 : i32 to index
      %swap3A_240 = tpu.vector_load %arg8[%swap3A_238, %swap3A_239] {strides = array<i32>} : memref<4x2048xf32, #tpu.memory_space<vmem>>, vector<1x16xf32>,
      %swap3A_241 = vector.shape_cast %swap3A_240 : vector<1x16xf32> to vector<16xf32>
      %swap3A_242 = vector.shape_cast %get3A_236 : vector<16xf32> to vector<1x16xf32>
      tpu.vector_store %arg8[%swap3A_238, %swap3A_239], %swap3A_242 {add = true, strides = array<i32>} : memref<4x2048xf32, #tpu.memory_space<vmem>>, vector<1x16xf32>,
      %get3A_243 = arith.constant 3 : i32
      %get3A_244 = arith.index_cast %get3A_243 : i32 to index
      %get3A_245 = arith.index_cast %mul3A_211 : i32 to index
      %get3A_246 = tpu.vector_load %arg12[%get3A_244, %get3A_245] {strides = array<i32>} : memref<4x2048xf32, #tpu.memory_space<vmem>>, vector<1x16xf32>,
      %get3A_247 = vector.shape_cast %get3A_246 : vector<1x16xf32> to vector<16xf32>
      %swap3A_248 = arith.constant 3 : i32
      %swap3A_249 = arith.index_cast %swap3A_248 : i32 to index
      %swap3A_250 = arith.index_cast %mul3A_211 : i32 to index
      %swap3A_251 = tpu.vector_load %arg8[%swap3A_249, %swap3A_250] {strides = array<i32>} : memref<4x2048xf32, #tpu.memory_space<vmem>>, vector<1x16xf32>,
      %swap3A_252 = vector.shape_cast %swap3A_251 : vector<1x16xf32> to vector<16xf32>
      %swap3A_253 = vector.shape_cast %get3A_247 : vector<16xf32> to vector<1x16xf32>
      tpu.vector_store %arg8[%swap3A_249, %swap3A_250], %swap3A_253 {add = true, strides = array<i32>} : memref<4x2048xf32, #tpu.memory_space<vmem>>, vector<1x16xf32>,
      %scan3A_254 = arith.constant 0 : i32
      scf.yield %scan3A_254 : i32
    }
    %scan3A_170 = arith.constant 128 : i32
    %mul3A_171 = arith.constant 4 : i32
    %mul3A_172 = arith.muli %scan3A_3, %mul3A_171 : i32
    %add3A_173 = arith.constant 3 : i32
    %add3A_174 = arith.addi %mul3A_172, %add3A_173 : i32
    %mul3A_175 = arith.constant 4 : i32
    %mul3A_176 = arith.muli %add3A_174, %mul3A_175 : i32
    %add3A_177 = arith.addi %mul3A_2, %mul3A_176 : i32
    %dma_start3A_178 = arith.constant 0 : i32
    %dma_start3A_179 = tpu.memref_slice %arg4[%add3A_177, %dma_start3A_178] : memref<512x2048xf32, #tpu.memory_space<hbm>> -> memref<4x2048xf32, #tpu.memory_space<hbm>>
    %dma_start3A_180 = arith.constant 0 : i32
    %dma_start3A_181 = tpu.memref_slice %arg4[%add3A_177, %dma_start3A_180] : memref<512x2048xf32, #tpu.memory_space<hbm>> -> memref<4x2048xf32, #tpu.memory_space<hbm>>
    tpu.enqueue_dma source(%arg8 : memref<4x2048xf32, #tpu.memory_space<vmem>>) target(%dma_start3A_181 : memref<4x2048xf32, #tpu.memory_space<hbm>>) target_semaphore(%arg20 : memref<!tpu.dma_semaphore, #tpu.memory_space<semaphore_mem>>)
    %dma_wait3A_182 = arith.constant 0 : i32
    %dma_wait3A_183 = arith.constant 0 : i32
    %dma_wait3A_184 = tpu.memref_slice %arg4[%dma_wait3A_182, %dma_wait3A_183] : memref<512x2048xf32, #tpu.memory_space<hbm>> -> memref<4x2048xf32, #tpu.memory_space<hbm>>
    %dma_wait3A_185 = arith.constant 0 : i32
    %dma_wait3A_186 = arith.constant 0 : i32
    %dma_wait3A_187 = tpu.memref_slice %arg4[%dma_wait3A_185, %dma_wait3A_186] : memref<512x2048xf32, #tpu.memory_space<hbm>> -> memref<4x2048xf32, #tpu.memory_space<hbm>>
    tpu.wait_dma2 semaphore(%arg17 : memref<!tpu.dma_semaphore, #tpu.memory_space<semaphore_mem>>) src(%arg5 : memref<4x2048xf32, #tpu.memory_space<vmem>>) dst(%dma_wait3A_187 : memref<4x2048xf32, #tpu.memory_space<hbm>>)
    %dma_wait3A_188 = arith.constant 0 : i32
    %dma_wait3A_189 = arith.constant 0 : i32
    %dma_wait3A_190 = tpu.memref_slice %arg4[%dma_wait3A_188, %dma_wait3A_189] : memref<512x2048xf32, #tpu.memory_space<hbm>> -> memref<4x2048xf32, #tpu.memory_space<hbm>>
    %dma_wait3A_191 = arith.constant 0 : i32
    %dma_wait3A_192 = arith.constant 0 : i32
    %dma_wait3A_193 = tpu.memref_slice %arg4[%dma_wait3A_191, %dma_wait3A_192] : memref<512x2048xf32, #tpu.memory_space<hbm>> -> memref<4x2048xf32, #tpu.memory_space<hbm>>
    tpu.wait_dma2 semaphore(%arg18 : memref<!tpu.dma_semaphore, #tpu.memory_space<semaphore_mem>>) src(%arg6 : memref<4x2048xf32, #tpu.memory_space<vmem>>) dst(%dma_wait3A_193 : memref<4x2048xf32, #tpu.memory_space<hbm>>)
    %dma_wait3A_194 = arith.constant 0 : i32
    %dma_wait3A_195 = arith.constant 0 : i32
    %dma_wait3A_196 = tpu.memref_slice %arg4[%dma_wait3A_194, %dma_wait3A_195] : memref<512x2048xf32, #tpu.memory_space<hbm>> -> memref<4x2048xf32, #tpu.memory_space<hbm>>
    %dma_wait3A_197 = arith.constant 0 : i32
    %dma_wait3A_198 = arith.constant 0 : i32
    %dma_wait3A_199 = tpu.memref_slice %arg4[%dma_wait3A_197, %dma_wait3A_198] : memref<512x2048xf32, #tpu.memory_space<hbm>> -> memref<4x2048xf32, #tpu.memory_space<hbm>>
    tpu.wait_dma2 semaphore(%arg19 : memref<!tpu.dma_semaphore, #tpu.memory_space<semaphore_mem>>) src(%arg7 : memref<4x2048xf32, #tpu.memory_space<vmem>>) dst(%dma_wait3A_199 : memref<4x2048xf32, #tpu.memory_space<hbm>>)
    %dma_wait3A_200 = arith.constant 0 : i32
    %dma_wait3A_201 = arith.constant 0 : i32
    %dma_wait3A_202 = tpu.memref_slice %arg4[%dma_wait3A_200, %dma_wait3A_201] : memref<512x2048xf32, #tpu.memory_space<hbm>> -> memref<4x2048xf32, #tpu.memory_space<hbm>>
    %dma_wait3A_203 = arith.constant 0 : i32
    %dma_wait3A_204 = arith.constant 0 : i32
    %dma_wait3A_205 = tpu.memref_slice %arg4[%dma_wait3A_203, %dma_wait3A_204] : memref<512x2048xf32, #tpu.memory_space<hbm>> -> memref<4x2048xf32, #tpu.memory_space<hbm>>
    tpu.wait_dma2 semaphore(%arg20 : memref<!tpu.dma_semaphore, #tpu.memory_space<semaphore_mem>>) src(%arg8 : memref<4x2048xf32, #tpu.memory_space<vmem>>) dst(%dma_wait3A_205 : memref<4x2048xf32, #tpu.memory_space<hbm>>)
    %scan3A_206 = arith.constant 0 : i32
    %scan3A_207 = arith.constant 1 : i32
    return
  }
}

module attributes {stable_mosaic.version = 14 : i64} {
  func.func @_tc_body(%arg0: i32, %arg1: memref<512x2048xf32, #tpu.memory_space<vmem>>, %arg2: memref<512x2048xf32, #tpu.memory_space<vmem>>, %arg3: memref<512x2048xf32, #tpu.memory_space<vmem>>) attributes {dimension_semantics = [#tpu.dimension_semantics<arbitrary>], iteration_bounds = array<i64: 15>, scalar_prefetch = 0 : i64, scratch_operands = 0 : i64, tpu.core_type = #tpu.core_type<tc>, window_params = [{transform_indices = @transform_0, window_bounds = array<i64: 512, 2048>}, {transform_indices = @transform_1, window_bounds = array<i64: 512, 2048>}, {transform_indices = @transform_2, window_bounds = array<i64: 512, 2048>}]} {
    %get3A = arith.constant 0 : index
    %get3A_0 = arith.constant 0 : index
    %get3A_1 = vector.load %arg1[%get3A, %get3A_0] : memref<512x2048xf32, #tpu.memory_space<vmem>>, vector<512x2048xf32>
    %get3A_2 = arith.constant 0 : index
    %get3A_3 = arith.constant 0 : index
    %get3A_4 = vector.load %arg2[%get3A_2, %get3A_3] : memref<512x2048xf32, #tpu.memory_space<vmem>>, vector<512x2048xf32>
    %add3A = arith.addf %get3A_1, %get3A_4 : vector<512x2048xf32>
    %swap3A = arith.constant 0 : index
    %swap3A_5 = arith.constant 0 : index
    %swap3A_6 = vector.load %arg3[%swap3A, %swap3A_5] : memref<512x2048xf32, #tpu.memory_space<vmem>>, vector<512x2048xf32>
    tpu.vector_store %arg3[%swap3A, %swap3A_5], %add3A {strides = array<i32>} : memref<512x2048xf32, #tpu.memory_space<vmem>>, vector<512x2048xf32>,
    return
  }
  func.func @transform_0(%arg0: i32) -> (i32, i32) {
    %add3A = arith.constant 1 : i32
    %add3A_0 = arith.addi %arg0, %add3A : i32
    %c0_i32 = arith.constant 0 : i32
    %c0_i32_1 = arith.constant 0 : i32
    return %add3A_0, %c0_i32 : i32, i32
  }
  func.func @transform_1(%arg0: i32) -> (i32, i32) {
    %add3A = arith.constant 1 : i32
    %add3A_0 = arith.addi %arg0, %add3A : i32
    %c0_i32 = arith.constant 0 : i32
    %c0_i32_1 = arith.constant 0 : i32
    return %add3A_0, %c0_i32 : i32, i32
  }
  func.func @transform_2(%arg0: i32) -> (i32, i32) {
    %add3A = arith.constant 1 : i32
    %add3A_0 = arith.addi %arg0, %add3A : i32
    %c0_i32 = arith.constant 0 : i32
    %c0_i32_1 = arith.constant 0 : i32
    return %add3A_0, %c0_i32 : i32, i32
  }
}

</mosaic_0001>

<sc_bundles>
// kernel: kernel.4.cloned.1.call-start
scs
__scs_entry_jumppad:
0x0: {  	(pc) =	sbr.rel $0x88, $3  }
0x1: {  	(tag) =	ssettag $0x0;
	lr =	simm.s32 $0x1  }
0x2: {  	[smem:$0x3F9F] =	sst lr;
	_ =	strace $0xD0000000  }
0x3: {  	_ = 	snop  }
0x4: {  	_ = 	snop  }
0x5: {  	_ = 	snop  }
0x6: {  	_ = 	snop  }
0x7: {  	_ = 	snop  }
__scs_overlays_trampoline_lowered:
0x8: {  	[smem:$0x3FAE] =	sst s0  }
0x9: {  	[smem:$0x3FAF] =	sst s1  }
0xa: {  	[smem:$0x3FB0] =	sst s2  }
0xb: {  	[smem:$0x3FB1] =	sst s3  }
0xc: {  	[smem:$0x3FB2] =	sst s4  }
0xd: {  	[smem:$0x3FB3] =	sst s5  }
0xe: {  	[smem:$0x3FB4] =	sst s6  }
0xf: {  	[smem:$0x3FB5] =	sst s7  }
0x10: {  	[smem:$0x3FB6] =	sst s8  }
0x11: {  	[smem:$0x3FB7] =	sst s9;
	s0 =	simm.s32 @!p0 $0x0  }
0x12: {  	s1 =	sld [smem:$0x3F9D];
	s0 =	simm.s32 @p0 $0x1  }
0x13: {  	[smem:$0x3FB8] =	sst s0;
	s0 =	simm.s32 @!p1 $0x0  }
0x14: {  	s2 =	sld [smem:$0x3F9C];
	s0 =	simm.s32 @p1 $0x1  }
0x15: {  	[smem:$0x3FB9] =	sst s0;
	s0 =	simm.s32 @!p2 $0x0  }
0x16: {  	s3 =	sld [smem:$0x3FDB];
	s0 =	simm.s32 @p2 $0x1  }
0x17: {  	s4 =	simm.s32 $0x1BF5;
	[smem:$0x3FBB] =	sst s0  }
0x18: {  	s0 =	sld [smem:$0x3F9E];
	_ =	swait.ge [sflag:s4], $0x0  }
0x19: {  	s7 =	sld [smem:$0x3F9F]  }
0x1a: {  	s8 =	sadd.s32 $0xFFFFE003, lr  }
0x1b: {  	s9 =	sadd.s32 $0xFFFFFEF7, lr;
	s5 =	simm.s32 $0xFFFFFFFF;
	p2 =	slt.u32 s8, $0xFFFFF086  }
0x1c: {  	p1 =	slt.u32 s9, $0xF7A;
	s5 =	simm.s32 @!p2 $0x0  }
0x1d: {  	s5 =	simm.s32 @p1 $0x1;
	p0 =	seq.s32 s7, s2  }
0x1e: {  	s7 =	smul.u32 @!p0 $0xF7A, s2;
	p2 =	seq.s32 @!p0 s5, $0x0  }
0x1f: {  	s9 =	smul.u32 $0xF7A, s1;
	s8 =	simm.s32 @!p0 $0x1BF5;
	p2 =	por !p2, p0  }
0x20: {  	[sflag:s8] =	ssyncset.s32 @!p0 $0xFFFFF086;
	s6 =	sadd.s32 @!p0 s3, s7;
	s7 =	simm.s32 @!p0 $0x108  }
0x21: {  	s3 =	sadd.s32 s3, s9;
	s6 =	sadd.s32 @!p0 $0x88, s6;
	s7 =	simm.s32 @p2 $0x1082  }
0x22: {  	[simem:s7], [sflag:s8] =	dma.local @!p0 [hbm:s6], $0xF7A  }
0x23: {  	s9 =	sor.u32 $0xD0000000, s2;
	s6 =	simm.s32 $0x108;
	_ =	swait.ge @!p0 [sflag:s8], $0x0  }
0x24: {  	s3 =	sadd.s32 $0x88, s3;
	s6 =	simm.s32 @!p1 $0x1082;
	[sflag:s4] =	ssyncset.s32 $0xFFFFF086  }
0x25: {  	[simem:s6], [sflag:s4] =	dma.local [hbm:s3], $0xF7A  }
0x26: {  	[smem:$0x3F9F] =	sst s1;
	(tag) =	ssettag s2;
	_ =	strace s9  }
0x27: {  	s1 =	sld [smem:$0x3FAF]  }
0x28: {  	s2 =	sld [smem:$0x3FB0]  }
0x29: {  	s4 =	sld [smem:$0x3FB2]  }
0x2a: {  	p0 =	seq.s32 s5, $0x0;
	s5 =	sld [smem:$0x3FB3]  }
0x2b: {  	s6 =	sld [smem:$0x3FB4]  }
0x2c: {  	s7 =	sld [smem:$0x3FB5]  }
0x2d: {  	s3 =	simm.s32 $0x108;
	s8 =	sld [smem:$0x3FB6]  }
0x2e: {  	s3 =	simm.s32 @!p0 $0x1082;
	s9 =	sld [smem:$0x3FB7]  }
0x2f: {  	lr =	sadd.s32 s0, s3;
	s0 =	sld [smem:$0x3FAE]  }
0x30: {  	s3 =	sld [smem:$0x3FB1]  }
0x31: {  	[smem:$0x3FBA] =	sst s10  }
0x32: {  	s10 =	sld [smem:$0x3FB8];
	_ =	sdelay $0x3  }
0x33: {  	p0 =	seq.s32 s10, $0x1;
	s10 =	sld [smem:$0x3FBA];
	_ =	sdelay $0x3  }
0x34: {  	[smem:$0x3FBA] =	sst s10  }
0x35: {  	s10 =	sld [smem:$0x3FB9];
	_ =	sdelay $0x3  }
0x36: {  	p1 =	seq.s32 s10, $0x1;
	s10 =	sld [smem:$0x3FBA];
	_ =	sdelay $0x3  }
0x37: {  	[smem:$0x3FBA] =	sst s10  }
0x38: {  	s10 =	sld [smem:$0x3FBB]  }
0x39: {  	_ = 	snop;
	(pc) =	sbr.ind lr, $3  }
0x3a: {  	_ = 	snop  }
0x3b: {  	_ = 	snop  }
0x3c: {  	p2 =	seq.s32 s10, $0x1;
	s10 =	sld [smem:$0x3FBA]  }
0x3d: {  	_ =	shalt  }
0x3e: {  	_ =	shalt  }
0x3f: {  	_ =	shalt  }
0x40: {  	_ =	shalt  }
0x41: {  	_ =	shalt  }
0x42: {  	_ =	shalt  }
0x43: {  	_ =	shalt  }
0x44: {  	_ =	shalt  }
0x45: {  	_ =	shalt  }
0x46: {  	_ =	shalt  }
0x47: {  	_ =	shalt  }
0x48: {  	_ =	shalt  }
0x49: {  	_ =	shalt  }
0x4a: {  	_ =	shalt  }
0x4b: {  	_ =	shalt  }
0x4c: {  	_ =	shalt  }
0x4d: {  	_ =	shalt  }
0x4e: {  	_ =	shalt  }
0x4f: {  	_ =	shalt  }
0x50: {  	_ =	shalt  }
0x51: {  	_ =	shalt  }
0x52: {  	_ =	shalt  }
0x53: {  	_ =	shalt  }
0x54: {  	_ =	shalt  }
0x55: {  	_ =	shalt  }
0x56: {  	_ =	shalt  }
0x57: {  	_ =	shalt  }
0x58: {  	_ =	shalt  }
0x59: {  	_ =	shalt  }
0x5a: {  	_ =	shalt  }
0x5b: {  	_ =	shalt  }
0x5c: {  	_ =	shalt  }
0x5d: {  	_ =	shalt  }
0x5e: {  	_ =	shalt  }
0x5f: {  	_ =	shalt  }
0x60: {  	_ =	shalt  }
0x61: {  	_ =	shalt  }
0x62: {  	_ =	shalt  }
0x63: {  	_ =	shalt  }
0x64: {  	_ =	shalt  }
0x65: {  	_ =	shalt  }
0x66: {  	_ =	shalt  }
0x67: {  	_ =	shalt  }
0x68: {  	_ =	shalt  }
0x69: {  	_ =	shalt  }
0x6a: {  	_ =	shalt  }
0x6b: {  	_ =	shalt  }
0x6c: {  	_ =	shalt  }
0x6d: {  	_ =	shalt  }
0x6e: {  	_ =	shalt  }
0x6f: {  	_ =	shalt  }
0x70: {  	_ =	shalt  }
0x71: {  	_ =	shalt  }
0x72: {  	_ =	shalt  }
0x73: {  	_ =	shalt  }
0x74: {  	_ =	shalt  }
0x75: {  	_ =	shalt  }
0x76: {  	_ =	shalt  }
0x77: {  	_ =	shalt  }
0x78: {  	_ =	shalt  }
0x79: {  	_ =	shalt  }
0x7a: {  	_ =	shalt  }
0x7b: {  	_ =	shalt  }
0x7c: {  	_ =	shalt  }
0x7d: {  	_ =	shalt  }
0x7e: {  	_ =	shalt  }
0x7f: {  	_ =	shalt  }
0x80: {  	_ =	shalt  }
0x81: {  	_ =	shalt  }
0x82: {  	_ =	shalt  }
0x83: {  	_ =	shalt  }
0x84: {  	_ =	shalt  }
0x85: {  	_ =	shalt  }
0x86: {  	_ =	shalt  }
0x87: {  	_ =	shalt  }
.Lfunc_end0:
.L_simem_size_0:
called_computation_lowered:
.L_overlay_start_0:
0x88: {  	s2 =	sld [smem:$0x3FD9]  }
0x89: {  	s3 =	sld [smem:$0x3FFE];
	_ =	sdelay $0x1  }
0x8a: {  	s1 =	srdreg.scid  }
0x8b: {  	s0 =	sand.u32 $0x1, s1  }
0x8c: {  	s16 =	sshll.u32 s0, $0xA;
	s2 =	sadd.s32 s3, s2  }
0x8d: {  	s2 =	sadd.s32 s2, s16  }
0x8e: {  	[smem:$0x3FC6] =	sst s2  }
0x8f: {  	_ = 	snop  }
0x90: {  	(tm) =	ssettm $0x1  }
0x91: {  	s17 =	sld [smem:$0x3FFB];
	_ =	sdelay $0x3  }
0x92: {  	_ =	strace s17  }
0x93: {  	s2 =	sld [smem:$0x3FFC];
	_ =	sdelay $0x3  }
0x94: {  	_ =	strace s2  }
0x95: {  	s2 =	sld [smem:$0x3FFD];
	_ =	sdelay $0x3  }
0x96: {  	_ =	strace s2  }
0x97: {  	_ =	strace $0x8FFFFFFF  }
0x98: {  	s18 =	sld [smem:$0x3FDB];
	_ =	sdelay $0x1  }
0x99: {  	s19 =	simm.s32 $_scs_section_size  }
0x9a: {  	s4 =	simm.s32 $_size__tile_overlayer_lowered;
	s5 =	simm.s32 $_tile_overlayer_lowered  }
0x9b: {  	s22 =	simm.s32 $0x1BFF;
	s21 =	sshll.u32 s5, $0x1;
	s2 =	sadd.s32 s19, s18  }
0x9c: {  	s6 =	simm.s32 $0x0;
	s20 =	sshll.u32 s4, $0x1;
	s4 =	sadd.s32 s21, s2  }
0x9d: {  	[timem:s6], [sflag:s22] =	dma.local [hbm:s4], s20  }
0x9e: {  	_ =	swait.ge [sflag:s22], s20  }
0x9f: {  	s3 =	ssub.s32 $0x0, s20;
	[sflag:s22] =	ssyncset.done $0x0  }
0xa0: {  	[sflag:s22] =	ssyncadd.s32 s3;
	_ =	sdelay $0x1  }
0xa1: {  	s23 =	simm.s32 $0x1B8B  }
0xa2: {  	_ =	swait.ge [sflag:s23], $0x1  }
0xa3: {  	[sflag:s23] =	ssyncset.done $0x0  }
0xa4: {  	s25 =	simm.s32 $0x1B8E;
	s24 =	sld [smem:$0x3FFE];
	[sflag:s23] =	ssyncadd.s32 $0xFFFFFFFF  }
0xa5: {  	s26 =	simm.s32 $execute0_lowered;
	[smem:$0x3FD2] =	sst s25  }
0xa6: {  	s4 =	sshll.u32 s26, $0x1;
	_ =	strace $0x80000046;
	[dreg:$0x1] =	wrdreg $0xFFFFFFFF  }
0xa7: {  	s28 =	simm.s32 $_size_execute0_lowered;
	s2 =	sadd.s32 s2, s4;
	[dreg:$0x0] =	wrdreg $0x0  }
0xa8: {  	s4 =	sshll.u32 s28, $0x1;
	[dreg:$0x2] =	wrdreg s2  }
0xa9: {  	[dreg:$0x3] =	wrdreg s4  }
0xaa: {  	[dreg:$0x4] =	wrdreg $0xC0  }
0xab: {  	_ =	task [dreg:s6], $0x5FFFF  }
0xac: {  	[dreg:$0x1] =	wrdreg $0xFFFFFFFF  }
0xad: {  	[dreg:$0x0] =	wrdreg $0x60  }
0xae: {  	[dreg:$0x2] =	wrdreg s24  }
0xaf: {  	[dreg:$0x3] =	wrdreg $0x9  }
0xb0: {  	_ =	task.clear_ibuf [dreg:s6], $0x4FFFF;
	_ =	strace $0x90000046  }
0xb1: {  	s29 =	simm.s32 $0x9;
	_ =	strace $0x80000048  }
0xb2: {  	_ =	swait.ge [sflag:s29], $0x1  }
0xb3: {  	[sflag:s29] =	ssyncadd.s32 $0xFFFFFFFF  }
0xb4: {  	_ =	strace $0x90000048  }
0xb5: {  	_ =	sfence  }
0xb6: {  	s30 =	sld [smem:$0x0];
	_ =	sdelay $0x2  }
0xb7: {  	s31 =	sshll.u32 s1, $0xD;
	s1 =	sshrl.u32 s1, $0x2  }
0xb8: {  	s3 =	sand.u32 $0x4000, s31;
	s1 =	sadd.s32 s1, s30  }
0xb9: {  	s0 =	sor.u32 s3, s0;
	s1 =	sshll.u32 s1, $0x11  }
0xba: {  	s0 =	sor.u32 s1, s0  }
0xbb: {  	s0 =	sadd.s32 $0x8F2B, s0  }
0xbc: {  	[sflag:s0] =	ssyncadd.remote.s32 $0x1  }
0xbd: {  	_ =	sfence.sel $0xFFFF  }
0xbe: {  	[dreg:$0x0] =	wrdreg $0xFFFFFFFF;
	(pc) =	sbr.abs _section_cstart, $3  }
0xbf: {  	[dreg:$0x1] =	wrdreg $0xFFFFFFFF  }
0xc0: {  	_ =	task.clear_ibuf [dreg:s6], $0x2FFFF;
	_ =	strace $0x9FFFFFFF  }
0xc1: {  	(tm) =	ssettm $0x7FFFFFFF  }
tec
execute0_lowered:
.L_overlay_start_1:
0x0: {  	(tag) =	ssettag $0x1  }
0x1: {  	s0 =	rddreg [dreg:$0x0]  }
0x2: {  	s1 =	simm.s32 $0x0;
	s2 =	srdreg.scid;
	s5 =	stileid.u32  }
0x3: {  	s16 =	simm.s32 $0x200;
	s17 =	simm.s32 $0x400;
	s19 =	simm.s32 $0x2000  }
0x4: {  	s21 =	simm.s32 $0x4000;
	s23 =	simm.s32 $0x6000;
	s28 =	simm.s32 $0x3  }
0x5: {  	s29 =	simm.s32 $0x4;
	s30 =	simm.s32 $0x5;
	s31 =	simm.s32 $0x6  }
0x6: {  	s18 =	simm.s32 $0x0;
	[smem:$0x7FF] =	sst s1;
	s3 =	sadd.s32 $0x400, s0  }
0x7: {  	s2 =	sand.u32 $0x1, s2;
	s5 =	sshll.u32 s5, $0xD;
	s10 =	sadd.s32 $0x20400, s0  }
0x8: {  	s0 =	sadd.s32 $0x40400, s0;
	s4 =	ssub.s32 $0x2, s2;
	s2 =	sshll.u32 s2, $0xC  }
0x9: {  	_ =	strace $0x80000047;
	s6 =	sshrl.u32 s4, $0x1;
	s2 =	sor.u32 s2, s5  }
0xa: {  	s4 =	ssub.s32 s4, s6;
	s12 =	sor.u32 $0x40, s2;
	s5 =	sadd.s32 s3, s2  }
0xb: {  	s25 =	sadd.s32 s10, s2;
	s13 =	sor.u32 $0x800, s2;
	s14 =	sor.u32 $0x840, s2  }
0xc: {  	s11 =	sadd.s32 s0, s2;
	s2 =	simm.s32 $0x8;
	[dreg:$0x2] =	wrdreg s5  }
0xd: {  	[dreg:$0x3] =	wrdreg s25;
	s26 =	sadd.s32 s3, s12;
	s6 =	sadd.s32 s10, s12  }
0xe: {  	s7 =	sadd.s32 s3, s13;
	s8 =	sadd.s32 s10, s13;
	s9 =	sadd.s32 s3, s14  }
0xf: {  	s10 =	sadd.s32 s10, s14;
	s12 =	sadd.s32 s0, s12;
	s13 =	sadd.s32 s0, s13  }
0x10: {  	s14 =	sadd.s32 s0, s14;
	s15 =	smax.u32 s4, $0x1;
	s25 =	simm.s32 $0x1  }
0x11: {  	s0 =	simm.s32 $0x7;
	[dreg:$0x4] =	wrdreg s26;
	s26 =	simm.s32 $0x2  }
.LBB2_1:
0x12: {  	s3 =	rddreg [dreg:$0x2]  }
0x13: {  	[tilespmem:s1], [sflag:$0x1] =	stream.strided.gather [hbm4b:s3+s16], $0x2000, s17, s16, $0x38;
	[tilespmem:$0x10000] =	vst v63  }
0x14: {  	s5 =	rddreg [dreg:$0x3];
	s4 =	simm.s32 $0x8000  }
0x15: {  	[tilespmem:s4], [sflag:$0x1] =	stream.strided.gather [hbm4b:s5+s16], $0x2000, s17, s16, $0x38;
	[tilespmem:$0x10000] =	vst v63  }
0x16: {  	s20 =	rddreg [dreg:$0x4]  }
0x17: {  	[tilespmem:s19], [sflag:$0x2] =	stream.strided.gather [hbm4b:s20+s16], $0x2000, s17, s16, $0x38;
	[tilespmem:$0x10000] =	vst v63  }
0x18: {  	s22 =	simm.s32 $0xA000  }
0x19: {  	[tilespmem:s22], [sflag:$0x2] =	stream.strided.gather [hbm4b:s6+s16], $0x2000, s17, s16, $0x38;
	[tilespmem:$0x10000] =	vst v63  }
0x1a: {  	_ = 	snop  }
0x1b: {  	[tilespmem:s21], [sflag:$0x3] =	stream.strided.gather [hbm4b:s7+s16], $0x2000, s17, s16, $0x38;
	[tilespmem:$0x10000] =	vst v63  }
0x1c: {  	s24 =	simm.s32 $0xC000  }
0x1d: {  	[tilespmem:s24], [sflag:$0x3] =	stream.strided.gather [hbm4b:s8+s16], $0x2000, s17, s16, $0x38;
	[tilespmem:$0x10000] =	vst v63  }
0x1e: {  	_ = 	snop  }
0x1f: {  	[tilespmem:s23], [sflag:$0x4] =	stream.strided.gather [hbm4b:s9+s16], $0x2000, s17, s16, $0x38;
	[tilespmem:$0x10000] =	vst v63  }
0x20: {  	s4 =	simm.s32 $0xE000  }
0x21: {  	[tilespmem:s4], [sflag:$0x4] =	stream.strided.gather [hbm4b:s10+s16], $0x2000, s17, s16, $0x38;
	[tilespmem:$0x10000] =	vst v63  }
0x22: {  	_ =	swait.ge [sflag:s25], $0x2000  }
0x23: {  	[sflag:s25] =	ssyncset.done $0x0  }
0x24: {  	[sflag:s25] =	ssyncadd.s32 $0xFFFFE000  }
0x25: {  	_ =	swait.ge [sflag:s25], $0x2000  }
0x26: {  	s5 =	sand.u32 $0x70, s1;
	s20 =	sand.u32 $0x1E00, s1;
	[sflag:s25] =	ssyncset.done $0x0  }
0x27: {  	s4 =	sor.u32 s5, s20;
	[sflag:s25] =	ssyncadd.s32 $0xFFFFE000  }
0x28: {  	v0 =	vld [tilespmem:s4+$0x8000]  }
0x29: {  	v1 =	vld [tilespmem:s4+$0x8080];
	_ =	sdelay $0x3  }
0x2a: {  	s3 =	sor.u32 $0x80, s4;
	[tilespmem:s4+$0x0] =	vst.add.f32.msk $0xffff, v0  }
0x2b: {  	[tilespmem:s3+$0x0] =	vst.add.f32.msk $0xffff, v1  }
0x2c: {  	v0 =	vld [tilespmem:s4+$0x8100];
	_ =	sdelay $0x3  }
0x2d: {  	s22 =	sor.u32 $0x100, s4  }
0x2e: {  	[tilespmem:s22+$0x0] =	vst.add.f32.msk $0xffff, v0  }
0x2f: {  	v0 =	vld [tilespmem:s4+$0x8180]  }
0x30: {  	s24 =	simm.s32 $0x10  }
0x31: {  	s24 =	sand.u32 $0x70, s24;
	s22 =	simm.s32 $0x40  }
0x32: {  	s20 =	simm.s32 $0x20;
	s3 =	sand.u32 $0x1E00, s22;
	s4 =	sor.u32 $0x180, s4  }
.LBB2_2:
0x33: {  	p0 =	sne.s32 s20, $0x7F0  }
0x34: {  	s5 =	sor.u32 s24, s3;
	[tilespmem:s4+$0x0] =	vst.add.f32.msk $0xffff, v0;
	s3 =	smov.u32 s20;
	s20 =	sadd.s32 $0x10, s20  }
0x35: {  	v0 =	vld [tilespmem:s5+$0x8000];
	s4 =	sor.u32 $0x80, s5  }
0x36: {  	v1 =	vld [tilespmem:s5+$0x8080];
	_ =	sdelay $0x3  }
0x37: {  	[tilespmem:s5+$0x0] =	vst.add.f32.msk $0xffff, v0  }
0x38: {  	[tilespmem:s4+$0x0] =	vst.add.f32.msk $0xffff, v1  }
0x39: {  	v0 =	vld [tilespmem:s5+$0x8100];
	_ =	sdelay $0x3  }
0x3a: {  	s4 =	sor.u32 $0x100, s5  }
0x3b: {  	[tilespmem:s4+$0x0] =	vst.add.f32.msk $0xffff, v0  }
.Ltmp0:
0x3c: {  	v0 =	vld [tilespmem:s5+$0x8180];
	(pc) =	sbr.rel @p0 .LBB2_2-.Ltmp0, $3  }
0x3d: {  	_ =	sdelay $0x1  }
0x3e: {  	s22 =	sadd.s32 $0x40, s22  }
0x3f: {  	s24 =	sand.u32 $0x70, s3;
	s3 =	sand.u32 $0x1E00, s22;
	s4 =	sor.u32 $0x180, s5  }
0x40: {  	s3 =	sor.u32 s24, s3;
	[tilespmem:s4+$0x0] =	vst.add.f32.msk $0xffff, v0  }
0x41: {  	v0 =	vld [tilespmem:s3+$0x8000]  }
0x42: {  	v1 =	vld [tilespmem:s3+$0x8080];
	_ =	sdelay $0x3  }
0x43: {  	s22 =	sor.u32 $0x80, s3;
	[tilespmem:s3+$0x0] =	vst.add.f32.msk $0xffff, v0  }
0x44: {  	[tilespmem:s22+$0x0] =	vst.add.f32.msk $0xffff, v1  }
0x45: {  	v0 =	vld [tilespmem:s3+$0x8100];
	_ =	sdelay $0x3  }
0x46: {  	s24 =	sor.u32 $0x100, s3  }
0x47: {  	[tilespmem:s24+$0x0] =	vst.add.f32.msk $0xffff, v0  }
0x48: {  	v0 =	vld [tilespmem:s3+$0x8180];
	_ =	sdelay $0x3  }
0x49: {  	s3 =	sor.u32 $0x180, s3  }
0x4a: {  	s5 =	simm.s32 $0x0;
	[tilespmem:s3+$0x0] =	vst.add.f32.msk $0xffff, v0  }
0x4b: {  	[hbm4b:s11+s16] =	stream.strided.scatter [tilespmem:s5], [sflag:$0x5], $0x2000, s17, s16, $0x38;
	[tilespmem:$0x10000] =	vst v63  }
0x4c: {  	_ =	swait.ge [sflag:s26], $0x2000  }
0x4d: {  	[sflag:s26] =	ssyncset.done $0x0  }
0x4e: {  	[sflag:s26] =	ssyncadd.s32 $0xFFFFE000  }
0x4f: {  	_ =	swait.ge [sflag:s26], $0x2000  }
0x50: {  	s20 =	sand.u32 $0x70, s5;
	s3 =	sand.u32 $0x1E00, s5;
	[sflag:s26] =	ssyncset.done $0x0  }
0x51: {  	s4 =	sor.u32 s20, s3;
	[sflag:s26] =	ssyncadd.s32 $0xFFFFE000  }
0x52: {  	v0 =	vld [tilespmem:s4+$0xA000];
	_ =	sdelay $0x3  }
0x53: {  	s3 =	sor.u32 $0x2000, s4  }
0x54: {  	[tilespmem:s3+$0x0] =	vst.add.f32.msk $0xffff, v0  }
0x55: {  	v0 =	vld [tilespmem:s4+$0xA080];
	_ =	sdelay $0x3  }
0x56: {  	s22 =	sor.u32 $0x2080, s4  }
0x57: {  	[tilespmem:s22+$0x0] =	vst.add.f32.msk $0xffff, v0  }
0x58: {  	v0 =	vld [tilespmem:s4+$0xA100];
	_ =	sdelay $0x3  }
0x59: {  	s5 =	sor.u32 $0x2100, s4  }
0x5a: {  	[tilespmem:s5+$0x0] =	vst.add.f32.msk $0xffff, v0  }
0x5b: {  	v0 =	vld [tilespmem:s4+$0xA180];
	_ =	sdelay $0x1  }
0x5c: {  	s24 =	simm.s32 $0x10  }
0x5d: {  	s24 =	sand.u32 $0x70, s24;
	s20 =	simm.s32 $0x40  }
0x5e: {  	s3 =	sand.u32 $0x1E00, s20;
	s22 =	simm.s32 $0x20;
	s4 =	sor.u32 $0x2180, s4  }
.LBB2_4:
0x5f: {  	p0 =	sne.s32 s22, $0x7F0;
	s5 =	sor.u32 s24, s3;
	[tilespmem:s4+$0x0] =	vst.add.f32.msk $0xffff, v0  }
0x60: {  	v0 =	vld [tilespmem:s5+$0xA000];
	_ =	sdelay $0x3  }
0x61: {  	s3 =	sor.u32 $0x2000, s5  }
0x62: {  	[tilespmem:s3+$0x0] =	vst.add.f32.msk $0xffff, v0  }
0x63: {  	v0 =	vld [tilespmem:s5+$0xA080];
	_ =	sdelay $0x3  }
0x64: {  	s3 =	sor.u32 $0x2080, s5  }
0x65: {  	[tilespmem:s3+$0x0] =	vst.add.f32.msk $0xffff, v0  }
0x66: {  	v0 =	vld [tilespmem:s5+$0xA100];
	_ =	sdelay $0x3  }
0x67: {  	s3 =	sor.u32 $0x2100, s5  }
0x68: {  	[tilespmem:s3+$0x0] =	vst.add.f32.msk $0xffff, v0  }
.Ltmp1:
0x69: {  	v0 =	vld [tilespmem:s5+$0xA180];
	(pc) =	sbr.rel @p0 .LBB2_4-.Ltmp1, $3  }
0x6a: {  	_ =	sdelay $0x1  }
0x6b: {  	s24 =	sand.u32 $0x70, s22;
	s20 =	sadd.s32 $0x40, s20  }
0x6c: {  	s22 =	sadd.s32 $0x10, s22;
	s4 =	sor.u32 $0x2180, s5;
	s3 =	sand.u32 $0x1E00, s20  }
0x6d: {  	s3 =	sor.u32 s24, s3;
	[tilespmem:s4+$0x0] =	vst.add.f32.msk $0xffff, v0  }
0x6e: {  	v0 =	vld [tilespmem:s3+$0xA000];
	_ =	sdelay $0x3  }
0x6f: {  	s20 =	sor.u32 $0x2000, s3  }
0x70: {  	[tilespmem:s20+$0x0] =	vst.add.f32.msk $0xffff, v0  }
0x71: {  	v0 =	vld [tilespmem:s3+$0xA080];
	_ =	sdelay $0x3  }
0x72: {  	s22 =	sor.u32 $0x2080, s3  }
0x73: {  	[tilespmem:s22+$0x0] =	vst.add.f32.msk $0xffff, v0  }
0x74: {  	v0 =	vld [tilespmem:s3+$0xA100];
	_ =	sdelay $0x3  }
0x75: {  	s24 =	sor.u32 $0x2100, s3  }
0x76: {  	[tilespmem:s24+$0x0] =	vst.add.f32.msk $0xffff, v0  }
0x77: {  	v0 =	vld [tilespmem:s3+$0xA180];
	_ =	sdelay $0x3  }
0x78: {  	s3 =	sor.u32 $0x2180, s3  }
0x79: {  	[tilespmem:s3+$0x0] =	vst.add.f32.msk $0xffff, v0  }
0x7a: {  	[hbm4b:s12+s16] =	stream.strided.scatter [tilespmem:s19], [sflag:$0x6], $0x2000, s17, s16, $0x38;
	[tilespmem:$0x10000] =	vst v63  }
0x7b: {  	_ =	swait.ge [sflag:s28], $0x2000  }
0x7c: {  	[sflag:s28] =	ssyncset.done $0x0  }
0x7d: {  	[sflag:s28] =	ssyncadd.s32 $0xFFFFE000  }
0x7e: {  	s5 =	simm.s32 $0x0;
	_ =	swait.ge [sflag:s28], $0x2000  }
0x7f: {  	s20 =	sand.u32 $0x70, s5;
	s3 =	sand.u32 $0x1E00, s5;
	[sflag:s28] =	ssyncset.done $0x0  }
0x80: {  	s4 =	sor.u32 s20, s3;
	[sflag:s28] =	ssyncadd.s32 $0xFFFFE000  }
0x81: {  	v0 =	vld [tilespmem:s4+$0xC000];
	_ =	sdelay $0x3  }
0x82: {  	s3 =	sor.u32 $0x4000, s4  }
0x83: {  	[tilespmem:s3+$0x0] =	vst.add.f32.msk $0xffff, v0  }
0x84: {  	v0 =	vld [tilespmem:s4+$0xC080];
	_ =	sdelay $0x3  }
0x85: {  	s22 =	sor.u32 $0x4080, s4  }
0x86: {  	[tilespmem:s22+$0x0] =	vst.add.f32.msk $0xffff, v0  }
0x87: {  	v0 =	vld [tilespmem:s4+$0xC100];
	_ =	sdelay $0x3  }
0x88: {  	s5 =	sor.u32 $0x4100, s4  }
0x89: {  	[tilespmem:s5+$0x0] =	vst.add.f32.msk $0xffff, v0  }
0x8a: {  	v0 =	vld [tilespmem:s4+$0xC180];
	_ =	sdelay $0x1  }
0x8b: {  	s24 =	simm.s32 $0x10  }
0x8c: {  	s24 =	sand.u32 $0x70, s24;
	s20 =	simm.s32 $0x40  }
0x8d: {  	s3 =	sand.u32 $0x1E00, s20;
	s22 =	simm.s32 $0x20;
	s4 =	sor.u32 $0x4180, s4  }
.LBB2_6:
0x8e: {  	p0 =	sne.s32 s22, $0x7F0;
	s5 =	sor.u32 s24, s3;
	[tilespmem:s4+$0x0] =	vst.add.f32.msk $0xffff, v0  }
0x8f: {  	v0 =	vld [tilespmem:s5+$0xC000];
	_ =	sdelay $0x3  }
0x90: {  	s3 =	sor.u32 $0x4000, s5  }
0x91: {  	[tilespmem:s3+$0x0] =	vst.add.f32.msk $0xffff, v0  }
0x92: {  	v0 =	vld [tilespmem:s5+$0xC080];
	_ =	sdelay $0x3  }
0x93: {  	s3 =	sor.u32 $0x4080, s5  }
0x94: {  	[tilespmem:s3+$0x0] =	vst.add.f32.msk $0xffff, v0  }
0x95: {  	v0 =	vld [tilespmem:s5+$0xC100];
	_ =	sdelay $0x3  }
0x96: {  	s3 =	sor.u32 $0x4100, s5  }
0x97: {  	[tilespmem:s3+$0x0] =	vst.add.f32.msk $0xffff, v0  }
.Ltmp2:
0x98: {  	v0 =	vld [tilespmem:s5+$0xC180];
	(pc) =	sbr.rel @p0 .LBB2_6-.Ltmp2, $3  }
0x99: {  	_ =	sdelay $0x1  }
0x9a: {  	s24 =	sand.u32 $0x70, s22;
	s20 =	sadd.s32 $0x40, s20  }
0x9b: {  	s22 =	sadd.s32 $0x10, s22;
	s4 =	sor.u32 $0x4180, s5;
	s3 =	sand.u32 $0x1E00, s20  }
0x9c: {  	s3 =	sor.u32 s24, s3;
	[tilespmem:s4+$0x0] =	vst.add.f32.msk $0xffff, v0  }
0x9d: {  	v0 =	vld [tilespmem:s3+$0xC000];
	_ =	sdelay $0x3  }
0x9e: {  	s20 =	sor.u32 $0x4000, s3  }
0x9f: {  	[tilespmem:s20+$0x0] =	vst.add.f32.msk $0xffff, v0  }
0xa0: {  	v0 =	vld [tilespmem:s3+$0xC080];
	_ =	sdelay $0x3  }
0xa1: {  	s22 =	sor.u32 $0x4080, s3  }
0xa2: {  	[tilespmem:s22+$0x0] =	vst.add.f32.msk $0xffff, v0  }
0xa3: {  	v0 =	vld [tilespmem:s3+$0xC100];
	_ =	sdelay $0x3  }
0xa4: {  	s24 =	sor.u32 $0x4100, s3  }
0xa5: {  	[tilespmem:s24+$0x0] =	vst.add.f32.msk $0xffff, v0  }
0xa6: {  	v0 =	vld [tilespmem:s3+$0xC180];
	_ =	sdelay $0x3  }
0xa7: {  	s3 =	sor.u32 $0x4180, s3  }
0xa8: {  	[tilespmem:s3+$0x0] =	vst.add.f32.msk $0xffff, v0  }
0xa9: {  	[hbm4b:s13+s16] =	stream.strided.scatter [tilespmem:s21], [sflag:$0x7], $0x2000, s17, s16, $0x38;
	[tilespmem:$0x10000] =	vst v63  }
0xaa: {  	_ =	swait.ge [sflag:s29], $0x2000  }
0xab: {  	[sflag:s29] =	ssyncset.done $0x0  }
0xac: {  	[sflag:s29] =	ssyncadd.s32 $0xFFFFE000  }
0xad: {  	s5 =	simm.s32 $0x0;
	_ =	swait.ge [sflag:s29], $0x2000  }
0xae: {  	s20 =	sand.u32 $0x70, s5;
	s3 =	sand.u32 $0x1E00, s5;
	[sflag:s29] =	ssyncset.done $0x0  }
0xaf: {  	s4 =	sor.u32 s20, s3;
	[sflag:s29] =	ssyncadd.s32 $0xFFFFE000  }
0xb0: {  	v0 =	vld [tilespmem:s4+$0xE000];
	_ =	sdelay $0x3  }
0xb1: {  	s3 =	sor.u32 $0x6000, s4  }
0xb2: {  	[tilespmem:s3+$0x0] =	vst.add.f32.msk $0xffff, v0  }
0xb3: {  	v0 =	vld [tilespmem:s4+$0xE080];
	_ =	sdelay $0x3  }
0xb4: {  	s22 =	sor.u32 $0x6080, s4  }
0xb5: {  	[tilespmem:s22+$0x0] =	vst.add.f32.msk $0xffff, v0  }
0xb6: {  	v0 =	vld [tilespmem:s4+$0xE100];
	_ =	sdelay $0x3  }
0xb7: {  	s5 =	sor.u32 $0x6100, s4  }
0xb8: {  	[tilespmem:s5+$0x0] =	vst.add.f32.msk $0xffff, v0  }
0xb9: {  	v0 =	vld [tilespmem:s4+$0xE180];
	_ =	sdelay $0x1  }
0xba: {  	s24 =	simm.s32 $0x10  }
0xbb: {  	s24 =	sand.u32 $0x70, s24;
	s20 =	simm.s32 $0x40  }
0xbc: {  	s3 =	sand.u32 $0x1E00, s20;
	s22 =	simm.s32 $0x20;
	s4 =	sor.u32 $0x6180, s4  }
.LBB2_8:
0xbd: {  	p0 =	sne.s32 s22, $0x7F0;
	s5 =	sor.u32 s24, s3;
	[tilespmem:s4+$0x0] =	vst.add.f32.msk $0xffff, v0  }
0xbe: {  	v0 =	vld [tilespmem:s5+$0xE000];
	_ =	sdelay $0x3  }
0xbf: {  	s3 =	sor.u32 $0x6000, s5  }
0xc0: {  	[tilespmem:s3+$0x0] =	vst.add.f32.msk $0xffff, v0  }
0xc1: {  	v0 =	vld [tilespmem:s5+$0xE080];
	_ =	sdelay $0x3  }
0xc2: {  	s3 =	sor.u32 $0x6080, s5  }
0xc3: {  	[tilespmem:s3+$0x0] =	vst.add.f32.msk $0xffff, v0  }
0xc4: {  	v0 =	vld [tilespmem:s5+$0xE100];
	_ =	sdelay $0x3  }
0xc5: {  	s3 =	sor.u32 $0x6100, s5  }
0xc6: {  	[tilespmem:s3+$0x0] =	vst.add.f32.msk $0xffff, v0  }
.Ltmp3:
0xc7: {  	v0 =	vld [tilespmem:s5+$0xE180];
	(pc) =	sbr.rel @p0 .LBB2_8-.Ltmp3, $3  }
0xc8: {  	_ =	sdelay $0x1  }
0xc9: {  	s24 =	sand.u32 $0x70, s22;
	s20 =	sadd.s32 $0x40, s20  }
0xca: {  	s22 =	sadd.s32 $0x10, s22;
	s4 =	sor.u32 $0x6180, s5;
	s3 =	sand.u32 $0x1E00, s20  }
0xcb: {  	s3 =	sor.u32 s24, s3;
	[tilespmem:s4+$0x0] =	vst.add.f32.msk $0xffff, v0  }
0xcc: {  	v0 =	vld [tilespmem:s3+$0xE000];
	_ =	sdelay $0x3  }
0xcd: {  	s20 =	sor.u32 $0x6000, s3  }
0xce: {  	[tilespmem:s20+$0x0] =	vst.add.f32.msk $0xffff, v0  }
0xcf: {  	v0 =	vld [tilespmem:s3+$0xE080];
	_ =	sdelay $0x3  }
0xd0: {  	s22 =	sor.u32 $0x6080, s3  }
0xd1: {  	[tilespmem:s22+$0x0] =	vst.add.f32.msk $0xffff, v0  }
0xd2: {  	v0 =	vld [tilespmem:s3+$0xE100];
	_ =	sdelay $0x3  }
0xd3: {  	s24 =	sor.u32 $0x6100, s3  }
0xd4: {  	[tilespmem:s24+$0x0] =	vst.add.f32.msk $0xffff, v0  }
0xd5: {  	v0 =	vld [tilespmem:s3+$0xE180];
	_ =	sdelay $0x3  }
0xd6: {  	s3 =	sor.u32 $0x6180, s3  }
0xd7: {  	[tilespmem:s3+$0x0] =	vst.add.f32.msk $0xffff, v0  }
0xd8: {  	[hbm4b:s14+s16] =	stream.strided.scatter [tilespmem:s23], [sflag:$0x8], $0x2000, s17, s16, $0x38;
	[tilespmem:$0x10000] =	vst v63  }
0xd9: {  	_ =	swait.ge [sflag:s30], $0x2000  }
0xda: {  	[sflag:s30] =	ssyncset.done $0x0  }
0xdb: {  	[sflag:s30] =	ssyncadd.s32 $0xFFFFE000  }
0xdc: {  	_ =	swait.ge [sflag:s31], $0x2000  }
0xdd: {  	[sflag:s31] =	ssyncset.done $0x0  }
0xde: {  	s18 =	sadd.s32 $0x1, s18;
	[sflag:s31] =	ssyncadd.s32 $0xFFFFE000  }
0xdf: {  	p0 =	sne.s32 s18, s15;
	_ =	swait.ge [sflag:s0], $0x2000  }
.Ltmp4:
0xe0: {  	[sflag:s0] =	ssyncset.done $0x0;
	(pc) =	sbr.rel @p0 .LBB2_1-.Ltmp4, $4  }
0xe1: {  	[sflag:s0] =	ssyncadd.s32 $0xFFFFE000  }
0xe2: {  	_ =	swait.ge [sflag:s2], $0x2000  }
0xe3: {  	[sflag:s2] =	ssyncset.done $0x0  }
0xe4: {  	[sflag:s2] =	ssyncadd.s32 $0xFFFFE000  }
0xe5: {  	_ =	sfence.sel $0x180000  }
0xe6: {  	[bflag:$0x0] =	sbarrier.arrive $0xFFFF  }
0xe7: {  	_ =	strace $0x90000047  }
0xe8: {  	s0 =	stileid.u32;
	[bflag:$0x2] =	sbarrier.arrive $0xFFFF  }
0xe9: {  	p0 =	sne.s32 s0, $0x0;
	s0 =	rddreg [dreg:$0x1]  }
0xea: {  	s0 =	sadd.s32 @!p0 $0x100000, s0  }
0xeb: {  	[sflag:s0] =	ssyncadd.tile.s32 @!p0 $0x1;
	_ =	shalt  }
.Lfunc_end2:
_tile_overlayer_lowered:
.L_overlay_start_2:
0xec: {  	(tag) =	ssettag $0x2  }
0xed: {  	s0 =	rddreg [dreg:$0x0];
	s2 =	stileid.u32  }
0xee: {  	s1 =	rddreg [dreg:$0x1];
	p0 =	sne.s32 s2, $0x0  }
0xef: {  	s3 =	rddreg [dreg:$0x2];
	[bflag:$0x3] =	sbarrier.arrive $0xFFFF;
	s2 =	simm.s32 @!p0 $0x1C09  }
0xf0: {  	[timem:s3], [sflag:s2] =	dma.local @!p0 [hbm:s0], s1  }
0xf1: {  	s0 =	simm.s32 @!p0 $0x9  }
0xf2: {  	_ =	swait.ge @!p0 [sflag:s0], s1  }
0xf3: {  	s1 =	ssub.s32 @!p0 $0x0, s1;
	[sflag:s0] =	ssyncset.done @!p0 $0x0  }
0xf4: {  	[sflag:s0] =	ssyncadd.s32 @!p0 s1  }
0xf5: {  	[bflag:$0x3] =	sbarrier.arrive $0xFFFF  }
0xf6: {  	_ =	shalt  }

</sc_bundles>
